<compile_context>
chip_gen: v7x
topology: tpu7x:2x2x1
jax: 0.10.2.dev20260603
libtpu: 0.0.44.dev20260713+nightly
codegen_flags: <defaults>
</compile_context>

<pallas_src>
import functools

import jax
import jax.numpy as jnp
from jax import lax
from jax.experimental import pallas as pl
from jax.experimental.pallas import tpu as pltpu
from jax.experimental.pallas import tpu_sc as plsc

F32 = jnp.float32
NC = 2
NS = 16
NW = NC * NS
CHUNK = 128



def _deg_body(n_pad, cpw, dst_hbm, zeros_hbm, out_hbm,
              hist_v, idx_v, buf_v, col_v, shared):
    rows_pt = n_pad // NS
    cid = lax.axis_index("c")
    sid = lax.axis_index("s")
    wid = cid * NS + sid
    r0 = sid * rows_pt
    pltpu.sync_copy(zeros_hbm, hist_v)
    base0 = wid * (cpw * CHUNK)
    ones16 = jnp.ones((16,), F32)

    def body(c, carry):
        b = base0 + c * CHUNK
        pltpu.sync_copy(dst_hbm.at[pl.ds(b, CHUNK)], idx_v)
        for j in range(CHUNK // 16):
            vec = idx_v[pl.ds(16 * j, 16)]
            plsc.addupdate_scatter(hist_v, [vec], ones16)
        return carry

    lax.fori_loop(0, cpw, body, 0)

    pltpu.sync_copy(hist_v, shared.at[sid])
    plsc.subcore_barrier()
    pltpu.sync_copy(shared.at[:, pl.ds(r0, rows_pt)], buf_v)

    def red(k, carry):
        acc = buf_v[0, pl.ds(16 * k, 16)]
        for t in range(1, NS):
            acc = acc + buf_v[t, pl.ds(16 * k, 16)]
        col_v[pl.ds(16 * k, 16)] = acc
        return carry

    lax.fori_loop(0, rows_pt // 16, red, 0)
    pltpu.sync_copy(col_v, out_hbm.at[cid, pl.ds(r0, rows_pt)])


def _spmm_body(n_pad, cpw, src_hbm, dst_hbm, tab_hbm, zeros_hbm, out_hbm,
               acc_sh, sidx_v, didx_v, rows_v, sem):
    rows_pt = n_pad // NS
    cid = lax.axis_index("c")
    sid = lax.axis_index("s")
    wid = cid * NS + sid
    r0 = sid * rows_pt
    pltpu.sync_copy(zeros_hbm.at[pl.ds(r0, rows_pt)], acc_sh.at[pl.ds(r0, rows_pt)])
    plsc.subcore_barrier()

    base0 = wid * (cpw * CHUNK)

    def body(c, carry):
        b = base0 + c * CHUNK
        pltpu.sync_copy(src_hbm.at[pl.ds(b, CHUNK)], sidx_v)
        pltpu.sync_copy(dst_hbm.at[pl.ds(b, CHUNK)], didx_v)
        pltpu.async_copy(tab_hbm.at[sidx_v], rows_v, sem).wait()
        pltpu.sync_copy(rows_v, acc_sh.at[didx_v], add=True)
        return carry

    lax.fori_loop(0, cpw, body, 0)
    plsc.subcore_barrier()
    pltpu.sync_copy(acc_sh.at[pl.ds(r0, rows_pt)],
                    out_hbm.at[cid, pl.ds(r0, rows_pt)])


def _make_deg_kernel(n_pad, cpw):
    mesh = plsc.VectorSubcoreMesh(core_axis_name="c", subcore_axis_name="s",
                                  num_cores=NC, num_subcores=NS)
    return pl.kernel(
        functools.partial(_deg_body, n_pad, cpw),
        out_type=jax.ShapeDtypeStruct((NC, n_pad), F32),
        mesh=mesh,
        compiler_params=pltpu.CompilerParams(needs_layout_passes=False),
        scratch_types=[
            pltpu.VMEM((n_pad,), F32),
            pltpu.VMEM((CHUNK,), jnp.int32),
            pltpu.VMEM((NS, n_pad // NS), F32),
            pltpu.VMEM((n_pad // NS,), F32),
            pltpu.VMEM_SHARED((NS, n_pad), F32),
        ],
    )


def _make_spmm_kernel(n_pad, cpw, f):
    mesh = plsc.VectorSubcoreMesh(core_axis_name="c", subcore_axis_name="s",
                                  num_cores=NC, num_subcores=NS)
    return pl.kernel(
        functools.partial(_spmm_body, n_pad, cpw),
        out_type=jax.ShapeDtypeStruct((NC, n_pad, f), F32),
        mesh=mesh,
        scratch_types=[
            pltpu.VMEM_SHARED((n_pad, f), F32),
            pltpu.VMEM((CHUNK,), jnp.int32),
            pltpu.VMEM((CHUNK,), jnp.int32),
            pltpu.VMEM((CHUNK, f), F32),
            pltpu.SemaphoreType.DMA,
        ],
    )



def _tc_scale_body(p0, p1, x, dinv_ref, xp_ref):
    deg = p0[...] + p1[...] + 1.0
    dinv = lax.rsqrt(deg)
    dinv_ref[...] = dinv
    xp_ref[...] = x[...] * dinv


def _tc_mlp_body(p0, p1, xp, dinv, w1, b1, w2, yp_ref):
    dv = dinv[...]
    agg = dv * (p0[...] + p1[...] + xp[...])
    h = jnp.maximum(jnp.dot(agg, w1[...], preferred_element_type=F32,
                            precision=lax.Precision.HIGHEST) + b1[...], 0.0)
    yp_ref[...] = jnp.dot(h, w2[...], preferred_element_type=F32,
                          precision=lax.Precision.HIGHEST) * dv


def _tc_out_body(q0, q1, yp, dinv, b2, out_ref):
    dv = dinv[...]
    out_ref[...] = jnp.maximum(dv * (q0[...] + q1[...] + yp[...]) + b2[...], 0.0)


def _row_spec(rb, w):
    return pl.BlockSpec((rb, w), lambda i: (i, 0))


def _full_spec(shape):
    return pl.BlockSpec(shape, lambda i: tuple(0 for _ in shape))


def _tc_scale(p0, p1, x, rb=2048):
    n_pad, f = x.shape
    return pl.pallas_call(
        _tc_scale_body,
        grid=(n_pad // rb,),
        in_specs=[_row_spec(rb, 1), _row_spec(rb, 1), _row_spec(rb, f)],
        out_specs=[_row_spec(rb, 1), _row_spec(rb, f)],
        out_shape=[jax.ShapeDtypeStruct((n_pad, 1), F32),
                   jax.ShapeDtypeStruct((n_pad, f), F32)],
    )(p0, p1, x)


def _tc_mlp(p0, p1, xp, dinv, w1, b1, w2, rb=2048):
    n_pad, f = xp.shape
    h = w1.shape[1]
    return pl.pallas_call(
        _tc_mlp_body,
        grid=(n_pad // rb,),
        in_specs=[_row_spec(rb, f), _row_spec(rb, f), _row_spec(rb, f),
                  _row_spec(rb, 1), _full_spec((f, h)), _full_spec((1, h)),
                  _full_spec((h, f))],
        out_specs=_row_spec(rb, f),
        out_shape=jax.ShapeDtypeStruct((n_pad, f), F32),
    )(p0, p1, xp, dinv, w1, b1, w2)


def _tc_out(q0, q1, yp, dinv, b2, rb=2048):
    n_pad, f = yp.shape
    return pl.pallas_call(
        _tc_out_body,
        grid=(n_pad // rb,),
        in_specs=[_row_spec(rb, f), _row_spec(rb, f), _row_spec(rb, f),
                  _row_spec(rb, 1), _full_spec((1, f))],
        out_specs=_row_spec(rb, f),
        out_shape=jax.ShapeDtypeStruct((n_pad, f), F32),
    )(q0, q1, yp, dinv, b2)



def kernel(x, edge_index, W1, b1, W2, b2):
    n, f = x.shape
    e = edge_index.shape[1]
    n_pad = ((n + 1 + 2047) // 2048) * 2048
    cpw = -(-e // (NW * CHUNK))
    e_pad = NW * cpw * CHUNK

    pad = jnp.full((e_pad - e,), n, jnp.int32)
    src = jnp.concatenate([edge_index[0].astype(jnp.int32), pad])
    dst = jnp.concatenate([edge_index[1].astype(jnp.int32), pad])
    x_pad = jnp.zeros((n_pad, f), F32).at[:n].set(x)
    zeros_row = jnp.zeros((n_pad,), F32)
    zeros_tab = jnp.zeros((n_pad, f), F32)

    deg_parts = _make_deg_kernel(n_pad, cpw)(dst, zeros_row)
    deg_cols = deg_parts.reshape(NC, n_pad, 1)
    dinv, xp = _tc_scale(deg_cols[0], deg_cols[1], x_pad)

    spmm = _make_spmm_kernel(n_pad, cpw, f)
    s1 = spmm(src, dst, xp, zeros_tab)
    yp = _tc_mlp(s1[0], s1[1], xp, dinv, W1, b1.reshape(1, -1), W2)
    s2 = spmm(src, dst, yp, zeros_tab)
    out = _tc_out(s2[0], s2[1], yp, dinv, b2.reshape(1, -1))
    return out[:n]

# --- scband reference (transcript-rebuilt; emitter-appended) ---
"""Pipeline reference for scband-model-1829656068562 (READ-ONLY COPY).

The authoritative reference and input builder live on the scoring server;
editing this copy changes nothing except your own understanding.
"""

import jax, jax.numpy as jnp
import numpy as np

N_NODES = 10000

def setup_inputs(seed: int = 0) -> dict:
    key = jax.random.key(seed)
    k1, k2, k3, k4 = jax.random.split(key, 4)
    x = jax.random.normal(k1, (N_NODES, 128), dtype=jnp.float32)
    edge_index = jax.random.randint(k2, (2, 320000), 0, N_NODES, dtype=jnp.int64)
    # Encoder with k=2: GCNConv(128 -> 2*128=256), GCNConv(256 -> 128)
    W1 = jax.random.normal(k3, (128, 256), dtype=jnp.float32) * 0.05
    b1 = jnp.zeros((256,), dtype=jnp.float32)
    W2 = jax.random.normal(k4, (256, 128), dtype=jnp.float32) * 0.05
    b2 = jnp.zeros((128,), dtype=jnp.float32)
    return {"x": x, "edge_index": edge_index, "W1": W1, "b1": b1, "W2": W2, "b2": b2}

def gcn_conv(x, src, dst, W, b, n_nodes):
    # GCNConv: out = D^{-1/2} (A + I) D^{-1/2} X W + b, aggregation at dst
    xw = x @ W
    deg = jax.ops.segment_sum(jnp.ones_like(dst, dtype=xw.dtype), dst, num_segments=n_nodes)
    deg_inv_sqrt = jnp.where(deg > 0, jax.lax.rsqrt(jnp.maximum(deg, 1e-12)), 0.0)
    norm = deg_inv_sqrt[src] * deg_inv_sqrt[dst]
    msg = jnp.take(xw, src, axis=0) * norm[:, None]
    out = jax.ops.segment_sum(msg, dst, num_segments=n_nodes)
    return out + b

def reference(x, edge_index, W1, b1, W2, b2):
    n = x.shape[0]
    loops = jnp.arange(n, dtype=edge_index.dtype)
    src = jnp.concatenate([edge_index[0], loops])
    dst = jnp.concatenate([edge_index[1], loops])
    # Model.forward -> Encoder.forward: activation applied after each conv
    h = jax.nn.relu(gcn_conv(x, src, dst, W1, b1, n))
    h = jax.nn.relu(gcn_conv(h, src, dst, W2, b2, n))
    return h

if __name__ == "__main__":
    import jax
    _d = setup_inputs()
    print(jax.jit(kernel)(*tuple(_d.values())))

</pallas_src>

<mosaic_0001>
#map = affine_map<(d0, d1) -> (0)>
#map1 = affine_map<(d0, d1) -> (0, 0)>
#map2 = affine_map<(d0, d1) -> (0, 0, 0)>
module attributes {stable_mosaic.version = 14 : i64} {
  func.func @_spmm_body(%arg0: i32, %arg1: i32, %arg2: memref<323584xi32, #tpu.memory_space<hbm>>, %arg3: memref<323584xi32, #tpu.memory_space<hbm>>, %arg4: memref<10240x128xf32, #tpu.memory_space<hbm>>, %arg5: memref<10240x128xf32, #tpu.memory_space<hbm>>, %arg6: memref<2x10240x128xf32, #tpu.memory_space<hbm>>, %arg7: memref<10240x128xf32, #tpu.memory_space<vmem_shared>>, %arg8: memref<128xi32, #tpu.memory_space<vmem>>, %arg9: memref<128xi32, #tpu.memory_space<vmem>>, %arg10: memref<128x128xf32, #tpu.memory_space<vmem>>, %arg11: memref<!tpu.dma_semaphore, #tpu.memory_space<semaphore_mem>>) attributes {dimension_semantics = [#tpu.dimension_semantics<core_parallel>, #tpu.dimension_semantics<subcore_parallel>], iteration_bounds = array<i64: 2, 16>, scalar_prefetch = 0 : i64, scratch_operands = 5 : i64, tpu.core_type = #tpu.core_type<sc_vector_subcore>, window_params = [{transform_indices = #map}, {transform_indices = #map}, {transform_indices = #map1}, {transform_indices = #map1}, {transform_indices = #map2}]} {
    %mul3A = arith.constant 16 : i32
    %mul3A_0 = arith.muli %arg0, %mul3A : i32
    %add3A = arith.addi %mul3A_0, %arg1 : i32
    %mul3A_1 = arith.constant 640 : i32
    %mul3A_2 = arith.muli %arg1, %mul3A_1 : i32
    "tpu.region"() ({
      %run_scoped3A = tpu.sem_alloc : memref<!tpu.dma_semaphore, #tpu.memory_space<semaphore_mem>>
      %dma_start3A = arith.constant 0 : i32
      %dma_start3A_11 = tpu.memref_slice %arg7[%mul3A_2, %dma_start3A] : memref<10240x128xf32, #tpu.memory_space<vmem_shared>> -> memref<640x128xf32, #tpu.memory_space<vmem_shared>>
      %dma_start3A_12 = arith.constant 0 : i32
      %dma_start3A_13 = tpu.memref_slice %arg5[%mul3A_2, %dma_start3A_12] : memref<10240x128xf32, #tpu.memory_space<hbm>> -> memref<640x128xf32, #tpu.memory_space<hbm>>
      tpu.enqueue_dma source(%dma_start3A_13 : memref<640x128xf32, #tpu.memory_space<hbm>>) target(%dma_start3A_11 : memref<640x128xf32, #tpu.memory_space<vmem_shared>>) target_semaphore(%run_scoped3A : memref<!tpu.dma_semaphore, #tpu.memory_space<semaphore_mem>>)
      %dma_wait3A = arith.constant 0 : i32
      %dma_wait3A_14 = tpu.memref_slice %arg7[%mul3A_2, %dma_wait3A] : memref<10240x128xf32, #tpu.memory_space<vmem_shared>> -> memref<640x128xf32, #tpu.memory_space<vmem_shared>>
      %dma_wait3A_15 = arith.constant 0 : i32
      %dma_wait3A_16 = tpu.memref_slice %arg5[%mul3A_2, %dma_wait3A_15] : memref<10240x128xf32, #tpu.memory_space<hbm>> -> memref<640x128xf32, #tpu.memory_space<hbm>>
      tpu.wait_dma2 semaphore(%run_scoped3A : memref<!tpu.dma_semaphore, #tpu.memory_space<semaphore_mem>>) src(%dma_wait3A_16 : memref<640x128xf32, #tpu.memory_space<hbm>>) dst(%dma_wait3A_14 : memref<640x128xf32, #tpu.memory_space<vmem_shared>>)
      tpu.yield
    }) : () -> ()
    %barrier3A = arith.constant 0 : index
    tpu.barrier barrier_id(%barrier3A)
    %mul3A_3 = arith.constant 10112 : i32
    %mul3A_4 = arith.muli %add3A, %mul3A_3 : i32
    %scan3A = arith.constant 0 : i32
    %scan3A_5 = arith.constant 0 : i32
    %scan3A_6 = arith.constant 79 : i32
    %scan3A_7 = arith.addi %scan3A_5, %scan3A_6 : i32
    %scan3A_8 = arith.constant 1 : i32
    scf.for %scan3A_11 = %scan3A_5 to %scan3A_7 step %scan3A_8  : i32 {
      %mul3A_12 = arith.constant 128 : i32
      %mul3A_13 = arith.muli %scan3A_11, %mul3A_12 : i32
      %add3A_14 = arith.addi %mul3A_4, %mul3A_13 : i32
      "tpu.region"() ({
        %run_scoped3A = tpu.sem_alloc : memref<!tpu.dma_semaphore, #tpu.memory_space<semaphore_mem>>
        %dma_start3A_19 = tpu.memref_slice %arg2[%add3A_14] : memref<323584xi32, #tpu.memory_space<hbm>> -> memref<128xi32, #tpu.memory_space<hbm>>
        %dma_start3A_20 = tpu.memref_slice %arg2[%add3A_14] : memref<323584xi32, #tpu.memory_space<hbm>> -> memref<128xi32, #tpu.memory_space<hbm>>
        tpu.enqueue_dma source(%dma_start3A_20 : memref<128xi32, #tpu.memory_space<hbm>>) target(%arg8 : memref<128xi32, #tpu.memory_space<vmem>>) target_semaphore(%run_scoped3A : memref<!tpu.dma_semaphore, #tpu.memory_space<semaphore_mem>>)
        %dma_wait3A_21 = tpu.memref_slice %arg2[%add3A_14] : memref<323584xi32, #tpu.memory_space<hbm>> -> memref<128xi32, #tpu.memory_space<hbm>>
        %dma_wait3A_22 = tpu.memref_slice %arg2[%add3A_14] : memref<323584xi32, #tpu.memory_space<hbm>> -> memref<128xi32, #tpu.memory_space<hbm>>
        tpu.wait_dma2 semaphore(%run_scoped3A : memref<!tpu.dma_semaphore, #tpu.memory_space<semaphore_mem>>) src(%dma_wait3A_22 : memref<128xi32, #tpu.memory_space<hbm>>) dst(%arg8 : memref<128xi32, #tpu.memory_space<vmem>>)
        tpu.yield
      }) : () -> ()
      "tpu.region"() ({
        %run_scoped3A = tpu.sem_alloc : memref<!tpu.dma_semaphore, #tpu.memory_space<semaphore_mem>>
        %dma_start3A_19 = tpu.memref_slice %arg3[%add3A_14] : memref<323584xi32, #tpu.memory_space<hbm>> -> memref<128xi32, #tpu.memory_space<hbm>>
        %dma_start3A_20 = tpu.memref_slice %arg3[%add3A_14] : memref<323584xi32, #tpu.memory_space<hbm>> -> memref<128xi32, #tpu.memory_space<hbm>>
        tpu.enqueue_dma source(%dma_start3A_20 : memref<128xi32, #tpu.memory_space<hbm>>) target(%arg9 : memref<128xi32, #tpu.memory_space<vmem>>) target_semaphore(%run_scoped3A : memref<!tpu.dma_semaphore, #tpu.memory_space<semaphore_mem>>)
        %dma_wait3A_21 = tpu.memref_slice %arg3[%add3A_14] : memref<323584xi32, #tpu.memory_space<hbm>> -> memref<128xi32, #tpu.memory_space<hbm>>
        %dma_wait3A_22 = tpu.memref_slice %arg3[%add3A_14] : memref<323584xi32, #tpu.memory_space<hbm>> -> memref<128xi32, #tpu.memory_space<hbm>>
        tpu.wait_dma2 semaphore(%run_scoped3A : memref<!tpu.dma_semaphore, #tpu.memory_space<semaphore_mem>>) src(%dma_wait3A_22 : memref<128xi32, #tpu.memory_space<hbm>>) dst(%arg9 : memref<128xi32, #tpu.memory_space<vmem>>)
        tpu.yield
      }) : () -> ()
      %dma_start3A = arith.constant 0 : i32
      %dma_start3A_15 = arith.constant 0 : i32
      %dma_start3A_16 = tpu.memref_slice %arg4[%dma_start3A, %dma_start3A_15] : memref<10240x128xf32, #tpu.memory_space<hbm>> -> memref<10240x128xf32, #tpu.memory_space<hbm>>
      tpu.enqueue_indirect_dma source(%dma_start3A_16 : memref<10240x128xf32, #tpu.memory_space<hbm>>) target(%arg10 : memref<128x128xf32, #tpu.memory_space<vmem>>) offsets(%arg8 : memref<128xi32, #tpu.memory_space<vmem>>) semaphore(%arg11 : memref<!tpu.dma_semaphore, #tpu.memory_space<semaphore_mem>>)
      %dma_wait3A = arith.constant 0 : i32
      %dma_wait3A_17 = arith.constant 0 : i32
      %dma_wait3A_18 = tpu.memref_slice %arg4[%dma_wait3A, %dma_wait3A_17] : memref<10240x128xf32, #tpu.memory_space<hbm>> -> memref<10240x128xf32, #tpu.memory_space<hbm>>
      tpu.wait_indirect_dma semaphore(%arg11 : memref<!tpu.dma_semaphore, #tpu.memory_space<semaphore_mem>>) src(%dma_wait3A_18 : memref<10240x128xf32, #tpu.memory_space<hbm>>) dst(%arg10 : memref<128x128xf32, #tpu.memory_space<vmem>>)
      "tpu.region"() ({
        %run_scoped3A = tpu.sem_alloc : memref<!tpu.dma_semaphore, #tpu.memory_space<semaphore_mem>>
        %dma_start3A_19 = arith.constant 0 : i32
        %dma_start3A_20 = arith.constant 0 : i32
        %dma_start3A_21 = tpu.memref_slice %arg7[%dma_start3A_19, %dma_start3A_20] : memref<10240x128xf32, #tpu.memory_space<vmem_shared>> -> memref<10240x128xf32, #tpu.memory_space<vmem_shared>>
        tpu.enqueue_indirect_dma source(%arg10 : memref<128x128xf32, #tpu.memory_space<vmem>>) target(%dma_start3A_21 : memref<10240x128xf32, #tpu.memory_space<vmem_shared>>) offsets(%arg9 : memref<128xi32, #tpu.memory_space<vmem>>) semaphore(%run_scoped3A : memref<!tpu.dma_semaphore, #tpu.memory_space<semaphore_mem>>) {add = true}
        %dma_wait3A_22 = arith.constant 0 : i32
        %dma_wait3A_23 = arith.constant 0 : i32
        %dma_wait3A_24 = tpu.memref_slice %arg7[%dma_wait3A_22, %dma_wait3A_23] : memref<10240x128xf32, #tpu.memory_space<vmem_shared>> -> memref<10240x128xf32, #tpu.memory_space<vmem_shared>>
        tpu.wait_indirect_dma semaphore(%run_scoped3A : memref<!tpu.dma_semaphore, #tpu.memory_space<semaphore_mem>>) src(%arg10 : memref<128x128xf32, #tpu.memory_space<vmem>>) dst(%dma_wait3A_24 : memref<10240x128xf32, #tpu.memory_space<vmem_shared>>)
        tpu.yield
      }) : () -> ()
    }
    %scan3A_9 = arith.constant 79 : i32
    %barrier3A_10 = arith.constant 0 : index
    tpu.barrier barrier_id(%barrier3A_10)
    "tpu.region"() ({
      %run_scoped3A = tpu.sem_alloc : memref<!tpu.dma_semaphore, #tpu.memory_space<semaphore_mem>>
      %dma_start3A = arith.constant 0 : i32
      %dma_start3A_11 = tpu.memref_slice %arg6[%arg0, %mul3A_2, %dma_start3A] : memref<2x10240x128xf32, #tpu.memory_space<hbm>> -> memref<1x640x128xf32, #tpu.memory_space<hbm>>
      %dma_start3A_12 = tpu.memref_squeeze %dma_start3A_11 : memref<1x640x128xf32, #tpu.memory_space<hbm>> -> memref<640x128xf32, #tpu.memory_space<hbm>>
      %dma_start3A_13 = arith.constant 0 : i32
      %dma_start3A_14 = tpu.memref_slice %arg7[%mul3A_2, %dma_start3A_13] : memref<10240x128xf32, #tpu.memory_space<vmem_shared>> -> memref<640x128xf32, #tpu.memory_space<vmem_shared>>
      tpu.enqueue_dma source(%dma_start3A_14 : memref<640x128xf32, #tpu.memory_space<vmem_shared>>) target(%dma_start3A_12 : memref<640x128xf32, #tpu.memory_space<hbm>>) target_semaphore(%run_scoped3A : memref<!tpu.dma_semaphore, #tpu.memory_space<semaphore_mem>>)
      %dma_wait3A = arith.constant 0 : i32
      %dma_wait3A_15 = tpu.memref_slice %arg6[%arg0, %mul3A_2, %dma_wait3A] : memref<2x10240x128xf32, #tpu.memory_space<hbm>> -> memref<1x640x128xf32, #tpu.memory_space<hbm>>
      %dma_wait3A_16 = tpu.memref_squeeze %dma_wait3A_15 : memref<1x640x128xf32, #tpu.memory_space<hbm>> -> memref<640x128xf32, #tpu.memory_space<hbm>>
      %dma_wait3A_17 = arith.constant 0 : i32
      %dma_wait3A_18 = tpu.memref_slice %arg7[%mul3A_2, %dma_wait3A_17] : memref<10240x128xf32, #tpu.memory_space<vmem_shared>> -> memref<640x128xf32, #tpu.memory_space<vmem_shared>>
      tpu.wait_dma2 semaphore(%run_scoped3A : memref<!tpu.dma_semaphore, #tpu.memory_space<semaphore_mem>>) src(%dma_wait3A_18 : memref<640x128xf32, #tpu.memory_space<vmem_shared>>) dst(%dma_wait3A_16 : memref<640x128xf32, #tpu.memory_space<hbm>>)
      tpu.yield
    }) : () -> ()
    return
  }
}

#map = affine_map<(d0, d1) -> (0)>
#map1 = affine_map<(d0, d1) -> (0, 0)>
module attributes {stable_mosaic.version = 14 : i64} {
  func.func @_deg_body(%arg0: i32, %arg1: i32, %arg2: memref<323584xi32, #tpu.memory_space<hbm>>, %arg3: memref<10240xf32, #tpu.memory_space<hbm>>, %arg4: memref<2x10240xf32, #tpu.memory_space<hbm>>, %arg5: memref<10240xf32, #tpu.memory_space<vmem>>, %arg6: memref<128xi32, #tpu.memory_space<vmem>>, %arg7: memref<16x640xf32, #tpu.memory_space<vmem>>, %arg8: memref<640xf32, #tpu.memory_space<vmem>>, %arg9: memref<16x10240xf32, #tpu.memory_space<vmem_shared>>) attributes {dimension_semantics = [#tpu.dimension_semantics<core_parallel>, #tpu.dimension_semantics<subcore_parallel>], iteration_bounds = array<i64: 2, 16>, scalar_prefetch = 0 : i64, scratch_operands = 5 : i64, tpu.core_type = #tpu.core_type<sc_vector_subcore>, window_params = [{transform_indices = #map}, {transform_indices = #map}, {transform_indices = #map1}]} {
    %mul3A = arith.constant 16 : i32
    %mul3A_0 = arith.muli %arg0, %mul3A : i32
    %add3A = arith.addi %mul3A_0, %arg1 : i32
    %mul3A_1 = arith.constant 640 : i32
    %mul3A_2 = arith.muli %arg1, %mul3A_1 : i32
    "tpu.region"() ({
      %run_scoped3A = tpu.sem_alloc : memref<!tpu.dma_semaphore, #tpu.memory_space<semaphore_mem>>
      tpu.enqueue_dma source(%arg3 : memref<10240xf32, #tpu.memory_space<hbm>>) target(%arg5 : memref<10240xf32, #tpu.memory_space<vmem>>) target_semaphore(%run_scoped3A : memref<!tpu.dma_semaphore, #tpu.memory_space<semaphore_mem>>)
      tpu.wait_dma2 semaphore(%run_scoped3A : memref<!tpu.dma_semaphore, #tpu.memory_space<semaphore_mem>>) src(%arg3 : memref<10240xf32, #tpu.memory_space<hbm>>) dst(%arg5 : memref<10240xf32, #tpu.memory_space<vmem>>)
      tpu.yield
    }) : () -> ()
    %mul3A_3 = arith.constant 10112 : i32
    %mul3A_4 = arith.muli %add3A, %mul3A_3 : i32
    %broadcast_in_dim3A = arith.constant 1.000000e+00 : f32
    %broadcast_in_dim3A_5 = vector.broadcast %broadcast_in_dim3A : f32 to vector<16xf32>
    %scan3A = arith.constant 0 : i32
    %scan3A_6 = arith.constant 0 : i32
    %scan3A_7 = arith.constant 79 : i32
    %scan3A_8 = arith.addi %scan3A_6, %scan3A_7 : i32
    %scan3A_9 = arith.constant 1 : i32
    scf.for %scan3A_17 = %scan3A_6 to %scan3A_8 step %scan3A_9  : i32 {
      %mul3A_18 = arith.constant 128 : i32
      %mul3A_19 = arith.muli %scan3A_17, %mul3A_18 : i32
      %add3A_20 = arith.addi %mul3A_4, %mul3A_19 : i32
      "tpu.region"() ({
        %run_scoped3A = tpu.sem_alloc : memref<!tpu.dma_semaphore, #tpu.memory_space<semaphore_mem>>
        %dma_start3A = tpu.memref_slice %arg2[%add3A_20] : memref<323584xi32, #tpu.memory_space<hbm>> -> memref<128xi32, #tpu.memory_space<hbm>>
        %dma_start3A_36 = tpu.memref_slice %arg2[%add3A_20] : memref<323584xi32, #tpu.memory_space<hbm>> -> memref<128xi32, #tpu.memory_space<hbm>>
        tpu.enqueue_dma source(%dma_start3A_36 : memref<128xi32, #tpu.memory_space<hbm>>) target(%arg6 : memref<128xi32, #tpu.memory_space<vmem>>) target_semaphore(%run_scoped3A : memref<!tpu.dma_semaphore, #tpu.memory_space<semaphore_mem>>)
        %dma_wait3A = tpu.memref_slice %arg2[%add3A_20] : memref<323584xi32, #tpu.memory_space<hbm>> -> memref<128xi32, #tpu.memory_space<hbm>>
        %dma_wait3A_37 = tpu.memref_slice %arg2[%add3A_20] : memref<323584xi32, #tpu.memory_space<hbm>> -> memref<128xi32, #tpu.memory_space<hbm>>
        tpu.wait_dma2 semaphore(%run_scoped3A : memref<!tpu.dma_semaphore, #tpu.memory_space<semaphore_mem>>) src(%dma_wait3A_37 : memref<128xi32, #tpu.memory_space<hbm>>) dst(%arg6 : memref<128xi32, #tpu.memory_space<vmem>>)
        tpu.yield
      }) : () -> ()
      %get3A = arith.constant 0 : index
      %get3A_21 = tpu.vector_load %arg6[%get3A] {strides = array<i32>} : memref<128xi32, #tpu.memory_space<vmem>>, vector<16xi32>,
      tpu.vector_store_idx %arg5[%get3A_21], %broadcast_in_dim3A_5 {add = true} : memref<10240xf32, #tpu.memory_space<vmem>>[vector<16xi32>], vector<16xf32>,
      %get3A_22 = arith.constant 16 : index
      %get3A_23 = tpu.vector_load %arg6[%get3A_22] {strides = array<i32>} : memref<128xi32, #tpu.memory_space<vmem>>, vector<16xi32>,
      tpu.vector_store_idx %arg5[%get3A_23], %broadcast_in_dim3A_5 {add = true} : memref<10240xf32, #tpu.memory_space<vmem>>[vector<16xi32>], vector<16xf32>,
      %get3A_24 = arith.constant 32 : index
      %get3A_25 = tpu.vector_load %arg6[%get3A_24] {strides = array<i32>} : memref<128xi32, #tpu.memory_space<vmem>>, vector<16xi32>,
      tpu.vector_store_idx %arg5[%get3A_25], %broadcast_in_dim3A_5 {add = true} : memref<10240xf32, #tpu.memory_space<vmem>>[vector<16xi32>], vector<16xf32>,
      %get3A_26 = arith.constant 48 : index
      %get3A_27 = tpu.vector_load %arg6[%get3A_26] {strides = array<i32>} : memref<128xi32, #tpu.memory_space<vmem>>, vector<16xi32>,
      tpu.vector_store_idx %arg5[%get3A_27], %broadcast_in_dim3A_5 {add = true} : memref<10240xf32, #tpu.memory_space<vmem>>[vector<16xi32>], vector<16xf32>,
      %get3A_28 = arith.constant 64 : index
      %get3A_29 = tpu.vector_load %arg6[%get3A_28] {strides = array<i32>} : memref<128xi32, #tpu.memory_space<vmem>>, vector<16xi32>,
      tpu.vector_store_idx %arg5[%get3A_29], %broadcast_in_dim3A_5 {add = true} : memref<10240xf32, #tpu.memory_space<vmem>>[vector<16xi32>], vector<16xf32>,
      %get3A_30 = arith.constant 80 : index
      %get3A_31 = tpu.vector_load %arg6[%get3A_30] {strides = array<i32>} : memref<128xi32, #tpu.memory_space<vmem>>, vector<16xi32>,
      tpu.vector_store_idx %arg5[%get3A_31], %broadcast_in_dim3A_5 {add = true} : memref<10240xf32, #tpu.memory_space<vmem>>[vector<16xi32>], vector<16xf32>,
      %get3A_32 = arith.constant 96 : index
      %get3A_33 = tpu.vector_load %arg6[%get3A_32] {strides = array<i32>} : memref<128xi32, #tpu.memory_space<vmem>>, vector<16xi32>,
      tpu.vector_store_idx %arg5[%get3A_33], %broadcast_in_dim3A_5 {add = true} : memref<10240xf32, #tpu.memory_space<vmem>>[vector<16xi32>], vector<16xf32>,
      %get3A_34 = arith.constant 112 : index
      %get3A_35 = tpu.vector_load %arg6[%get3A_34] {strides = array<i32>} : memref<128xi32, #tpu.memory_space<vmem>>, vector<16xi32>,
      tpu.vector_store_idx %arg5[%get3A_35], %broadcast_in_dim3A_5 {add = true} : memref<10240xf32, #tpu.memory_space<vmem>>[vector<16xi32>], vector<16xf32>,
    }
    %scan3A_10 = arith.constant 79 : i32
    "tpu.region"() ({
      %run_scoped3A = tpu.sem_alloc : memref<!tpu.dma_semaphore, #tpu.memory_space<semaphore_mem>>
      %dma_start3A = arith.constant 0 : i32
      %dma_start3A_17 = tpu.memref_slice %arg9[%arg1, %dma_start3A] : memref<16x10240xf32, #tpu.memory_space<vmem_shared>> -> memref<1x10240xf32, #tpu.memory_space<vmem_shared>>
      %dma_start3A_18 = tpu.memref_squeeze %dma_start3A_17 : memref<1x10240xf32, #tpu.memory_space<vmem_shared>> -> memref<10240xf32, #tpu.memory_space<vmem_shared>>
      %dma_start3A_19 = arith.constant 0 : i32
      %dma_start3A_20 = tpu.memref_slice %arg9[%arg1, %dma_start3A_19] : memref<16x10240xf32, #tpu.memory_space<vmem_shared>> -> memref<1x10240xf32, #tpu.memory_space<vmem_shared>>
      %dma_start3A_21 = tpu.memref_squeeze %dma_start3A_20 : memref<1x10240xf32, #tpu.memory_space<vmem_shared>> -> memref<10240xf32, #tpu.memory_space<vmem_shared>>
      tpu.enqueue_dma source(%arg5 : memref<10240xf32, #tpu.memory_space<vmem>>) target(%dma_start3A_21 : memref<10240xf32, #tpu.memory_space<vmem_shared>>) target_semaphore(%run_scoped3A : memref<!tpu.dma_semaphore, #tpu.memory_space<semaphore_mem>>)
      %dma_wait3A = arith.constant 0 : i32
      %dma_wait3A_22 = tpu.memref_slice %arg9[%arg1, %dma_wait3A] : memref<16x10240xf32, #tpu.memory_space<vmem_shared>> -> memref<1x10240xf32, #tpu.memory_space<vmem_shared>>
      %dma_wait3A_23 = tpu.memref_squeeze %dma_wait3A_22 : memref<1x10240xf32, #tpu.memory_space<vmem_shared>> -> memref<10240xf32, #tpu.memory_space<vmem_shared>>
      %dma_wait3A_24 = arith.constant 0 : i32
      %dma_wait3A_25 = tpu.memref_slice %arg9[%arg1, %dma_wait3A_24] : memref<16x10240xf32, #tpu.memory_space<vmem_shared>> -> memref<1x10240xf32, #tpu.memory_space<vmem_shared>>
      %dma_wait3A_26 = tpu.memref_squeeze %dma_wait3A_25 : memref<1x10240xf32, #tpu.memory_space<vmem_shared>> -> memref<10240xf32, #tpu.memory_space<vmem_shared>>
      tpu.wait_dma2 semaphore(%run_scoped3A : memref<!tpu.dma_semaphore, #tpu.memory_space<semaphore_mem>>) src(%arg5 : memref<10240xf32, #tpu.memory_space<vmem>>) dst(%dma_wait3A_26 : memref<10240xf32, #tpu.memory_space<vmem_shared>>)
      tpu.yield
    }) : () -> ()
    %barrier3A = arith.constant 0 : index
    tpu.barrier barrier_id(%barrier3A)
    "tpu.region"() ({
      %run_scoped3A = tpu.sem_alloc : memref<!tpu.dma_semaphore, #tpu.memory_space<semaphore_mem>>
      %dma_start3A = arith.constant 0 : i32
      %dma_start3A_17 = tpu.memref_slice %arg9[%dma_start3A, %mul3A_2] : memref<16x10240xf32, #tpu.memory_space<vmem_shared>> -> memref<16x640xf32, #tpu.memory_space<vmem_shared>>
      %dma_start3A_18 = arith.constant 0 : i32
      %dma_start3A_19 = tpu.memref_slice %arg9[%dma_start3A_18, %mul3A_2] : memref<16x10240xf32, #tpu.memory_space<vmem_shared>> -> memref<16x640xf32, #tpu.memory_space<vmem_shared>>
      tpu.enqueue_dma source(%dma_start3A_19 : memref<16x640xf32, #tpu.memory_space<vmem_shared>>) target(%arg7 : memref<16x640xf32, #tpu.memory_space<vmem>>) target_semaphore(%run_scoped3A : memref<!tpu.dma_semaphore, #tpu.memory_space<semaphore_mem>>)
      %dma_wait3A = arith.constant 0 : i32
      %dma_wait3A_20 = tpu.memref_slice %arg9[%dma_wait3A, %mul3A_2] : memref<16x10240xf32, #tpu.memory_space<vmem_shared>> -> memref<16x640xf32, #tpu.memory_space<vmem_shared>>
      %dma_wait3A_21 = arith.constant 0 : i32
      %dma_wait3A_22 = tpu.memref_slice %arg9[%dma_wait3A_21, %mul3A_2] : memref<16x10240xf32, #tpu.memory_space<vmem_shared>> -> memref<16x640xf32, #tpu.memory_space<vmem_shared>>
      tpu.wait_dma2 semaphore(%run_scoped3A : memref<!tpu.dma_semaphore, #tpu.memory_space<semaphore_mem>>) src(%dma_wait3A_22 : memref<16x640xf32, #tpu.memory_space<vmem_shared>>) dst(%arg7 : memref<16x640xf32, #tpu.memory_space<vmem>>)
      tpu.yield
    }) : () -> ()
    %scan3A_11 = arith.constant 0 : i32
    %scan3A_12 = arith.constant 0 : i32
    %scan3A_13 = arith.constant 40 : i32
    %scan3A_14 = arith.addi %scan3A_12, %scan3A_13 : i32
    %scan3A_15 = arith.constant 1 : i32
    scf.for %scan3A_17 = %scan3A_12 to %scan3A_14 step %scan3A_15  : i32 {
      %mul3A_18 = arith.constant 16 : i32
      %mul3A_19 = arith.muli %mul3A_18, %scan3A_17 : i32
      %get3A = arith.constant 0 : i32
      %get3A_20 = arith.index_cast %get3A : i32 to index
      %get3A_21 = arith.index_cast %mul3A_19 : i32 to index
      %get3A_22 = tpu.vector_load %arg7[%get3A_20, %get3A_21] {strides = array<i32>} : memref<16x640xf32, #tpu.memory_space<vmem>>, vector<16xf32>,
      %mul3A_23 = arith.constant 16 : i32
      %mul3A_24 = arith.muli %mul3A_23, %scan3A_17 : i32
      %get3A_25 = arith.constant 1 : i32
      %get3A_26 = arith.index_cast %get3A_25 : i32 to index
      %get3A_27 = arith.index_cast %mul3A_24 : i32 to index
      %get3A_28 = tpu.vector_load %arg7[%get3A_26, %get3A_27] {strides = array<i32>} : memref<16x640xf32, #tpu.memory_space<vmem>>, vector<16xf32>,
      %add3A_29 = arith.addf %get3A_22, %get3A_28 : vector<16xf32>
      %mul3A_30 = arith.constant 16 : i32
      %mul3A_31 = arith.muli %mul3A_30, %scan3A_17 : i32
      %get3A_32 = arith.constant 2 : i32
      %get3A_33 = arith.index_cast %get3A_32 : i32 to index
      %get3A_34 = arith.index_cast %mul3A_31 : i32 to index
      %get3A_35 = tpu.vector_load %arg7[%get3A_33, %get3A_34] {strides = array<i32>} : memref<16x640xf32, #tpu.memory_space<vmem>>, vector<16xf32>,
      %add3A_36 = arith.addf %add3A_29, %get3A_35 : vector<16xf32>
      %mul3A_37 = arith.constant 16 : i32
      %mul3A_38 = arith.muli %mul3A_37, %scan3A_17 : i32
      %get3A_39 = arith.constant 3 : i32
      %get3A_40 = arith.index_cast %get3A_39 : i32 to index
      %get3A_41 = arith.index_cast %mul3A_38 : i32 to index
      %get3A_42 = tpu.vector_load %arg7[%get3A_40, %get3A_41] {strides = array<i32>} : memref<16x640xf32, #tpu.memory_space<vmem>>, vector<16xf32>,
      %add3A_43 = arith.addf %add3A_36, %get3A_42 : vector<16xf32>
      %mul3A_44 = arith.constant 16 : i32
      %mul3A_45 = arith.muli %mul3A_44, %scan3A_17 : i32
      %get3A_46 = arith.constant 4 : i32
      %get3A_47 = arith.index_cast %get3A_46 : i32 to index
      %get3A_48 = arith.index_cast %mul3A_45 : i32 to index
      %get3A_49 = tpu.vector_load %arg7[%get3A_47, %get3A_48] {strides = array<i32>} : memref<16x640xf32, #tpu.memory_space<vmem>>, vector<16xf32>,
      %add3A_50 = arith.addf %add3A_43, %get3A_49 : vector<16xf32>
      %mul3A_51 = arith.constant 16 : i32
      %mul3A_52 = arith.muli %mul3A_51, %scan3A_17 : i32
      %get3A_53 = arith.constant 5 : i32
      %get3A_54 = arith.index_cast %get3A_53 : i32 to index
      %get3A_55 = arith.index_cast %mul3A_52 : i32 to index
      %get3A_56 = tpu.vector_load %arg7[%get3A_54, %get3A_55] {strides = array<i32>} : memref<16x640xf32, #tpu.memory_space<vmem>>, vector<16xf32>,
      %add3A_57 = arith.addf %add3A_50, %get3A_56 : vector<16xf32>
      %mul3A_58 = arith.constant 16 : i32
      %mul3A_59 = arith.muli %mul3A_58, %scan3A_17 : i32
      %get3A_60 = arith.constant 6 : i32
      %get3A_61 = arith.index_cast %get3A_60 : i32 to index
      %get3A_62 = arith.index_cast %mul3A_59 : i32 to index
      %get3A_63 = tpu.vector_load %arg7[%get3A_61, %get3A_62] {strides = array<i32>} : memref<16x640xf32, #tpu.memory_space<vmem>>, vector<16xf32>,
      %add3A_64 = arith.addf %add3A_57, %get3A_63 : vector<16xf32>
      %mul3A_65 = arith.constant 16 : i32
      %mul3A_66 = arith.muli %mul3A_65, %scan3A_17 : i32
      %get3A_67 = arith.constant 7 : i32
      %get3A_68 = arith.index_cast %get3A_67 : i32 to index
      %get3A_69 = arith.index_cast %mul3A_66 : i32 to index
      %get3A_70 = tpu.vector_load %arg7[%get3A_68, %get3A_69] {strides = array<i32>} : memref<16x640xf32, #tpu.memory_space<vmem>>, vector<16xf32>,
      %add3A_71 = arith.addf %add3A_64, %get3A_70 : vector<16xf32>
      %mul3A_72 = arith.constant 16 : i32
      %mul3A_73 = arith.muli %mul3A_72, %scan3A_17 : i32
      %get3A_74 = arith.constant 8 : i32
      %get3A_75 = arith.index_cast %get3A_74 : i32 to index
      %get3A_76 = arith.index_cast %mul3A_73 : i32 to index
      %get3A_77 = tpu.vector_load %arg7[%get3A_75, %get3A_76] {strides = array<i32>} : memref<16x640xf32, #tpu.memory_space<vmem>>, vector<16xf32>,
      %add3A_78 = arith.addf %add3A_71, %get3A_77 : vector<16xf32>
      %mul3A_79 = arith.constant 16 : i32
      %mul3A_80 = arith.muli %mul3A_79, %scan3A_17 : i32
      %get3A_81 = arith.constant 9 : i32
      %get3A_82 = arith.index_cast %get3A_81 : i32 to index
      %get3A_83 = arith.index_cast %mul3A_80 : i32 to index
      %get3A_84 = tpu.vector_load %arg7[%get3A_82, %get3A_83] {strides = array<i32>} : memref<16x640xf32, #tpu.memory_space<vmem>>, vector<16xf32>,
      %add3A_85 = arith.addf %add3A_78, %get3A_84 : vector<16xf32>
      %mul3A_86 = arith.constant 16 : i32
      %mul3A_87 = arith.muli %mul3A_86, %scan3A_17 : i32
      %get3A_88 = arith.constant 10 : i32
      %get3A_89 = arith.index_cast %get3A_88 : i32 to index
      %get3A_90 = arith.index_cast %mul3A_87 : i32 to index
      %get3A_91 = tpu.vector_load %arg7[%get3A_89, %get3A_90] {strides = array<i32>} : memref<16x640xf32, #tpu.memory_space<vmem>>, vector<16xf32>,
      %add3A_92 = arith.addf %add3A_85, %get3A_91 : vector<16xf32>
      %mul3A_93 = arith.constant 16 : i32
      %mul3A_94 = arith.muli %mul3A_93, %scan3A_17 : i32
      %get3A_95 = arith.constant 11 : i32
      %get3A_96 = arith.index_cast %get3A_95 : i32 to index
      %get3A_97 = arith.index_cast %mul3A_94 : i32 to index
      %get3A_98 = tpu.vector_load %arg7[%get3A_96, %get3A_97] {strides = array<i32>} : memref<16x640xf32, #tpu.memory_space<vmem>>, vector<16xf32>,
      %add3A_99 = arith.addf %add3A_92, %get3A_98 : vector<16xf32>
      %mul3A_100 = arith.constant 16 : i32
      %mul3A_101 = arith.muli %mul3A_100, %scan3A_17 : i32
      %get3A_102 = arith.constant 12 : i32
      %get3A_103 = arith.index_cast %get3A_102 : i32 to index
      %get3A_104 = arith.index_cast %mul3A_101 : i32 to index
      %get3A_105 = tpu.vector_load %arg7[%get3A_103, %get3A_104] {strides = array<i32>} : memref<16x640xf32, #tpu.memory_space<vmem>>, vector<16xf32>,
      %add3A_106 = arith.addf %add3A_99, %get3A_105 : vector<16xf32>
      %mul3A_107 = arith.constant 16 : i32
      %mul3A_108 = arith.muli %mul3A_107, %scan3A_17 : i32
      %get3A_109 = arith.constant 13 : i32
      %get3A_110 = arith.index_cast %get3A_109 : i32 to index
      %get3A_111 = arith.index_cast %mul3A_108 : i32 to index
      %get3A_112 = tpu.vector_load %arg7[%get3A_110, %get3A_111] {strides = array<i32>} : memref<16x640xf32, #tpu.memory_space<vmem>>, vector<16xf32>,
      %add3A_113 = arith.addf %add3A_106, %get3A_112 : vector<16xf32>
      %mul3A_114 = arith.constant 16 : i32
      %mul3A_115 = arith.muli %mul3A_114, %scan3A_17 : i32
      %get3A_116 = arith.constant 14 : i32
      %get3A_117 = arith.index_cast %get3A_116 : i32 to index
      %get3A_118 = arith.index_cast %mul3A_115 : i32 to index
      %get3A_119 = tpu.vector_load %arg7[%get3A_117, %get3A_118] {strides = array<i32>} : memref<16x640xf32, #tpu.memory_space<vmem>>, vector<16xf32>,
      %add3A_120 = arith.addf %add3A_113, %get3A_119 : vector<16xf32>
      %mul3A_121 = arith.constant 16 : i32
      %mul3A_122 = arith.muli %mul3A_121, %scan3A_17 : i32
      %get3A_123 = arith.constant 15 : i32
      %get3A_124 = arith.index_cast %get3A_123 : i32 to index
      %get3A_125 = arith.index_cast %mul3A_122 : i32 to index
      %get3A_126 = tpu.vector_load %arg7[%get3A_124, %get3A_125] {strides = array<i32>} : memref<16x640xf32, #tpu.memory_space<vmem>>, vector<16xf32>,
      %add3A_127 = arith.addf %add3A_120, %get3A_126 : vector<16xf32>
      %mul3A_128 = arith.constant 16 : i32
      %mul3A_129 = arith.muli %mul3A_128, %scan3A_17 : i32
      %swap3A = arith.index_cast %mul3A_129 : i32 to index
      %swap3A_130 = tpu.vector_load %arg8[%swap3A] {strides = array<i32>} : memref<640xf32, #tpu.memory_space<vmem>>, vector<16xf32>,
      tpu.vector_store %arg8[%swap3A], %add3A_127 {strides = array<i32>} : memref<640xf32, #tpu.memory_space<vmem>>, vector<16xf32>,
    }
    %scan3A_16 = arith.constant 40 : i32
    "tpu.region"() ({
      %run_scoped3A = tpu.sem_alloc : memref<!tpu.dma_semaphore, #tpu.memory_space<semaphore_mem>>
      %dma_start3A = tpu.memref_slice %arg4[%arg0, %mul3A_2] : memref<2x10240xf32, #tpu.memory_space<hbm>> -> memref<1x640xf32, #tpu.memory_space<hbm>>
      %dma_start3A_17 = tpu.memref_squeeze %dma_start3A : memref<1x640xf32, #tpu.memory_space<hbm>> -> memref<640xf32, #tpu.memory_space<hbm>>
      %dma_start3A_18 = tpu.memref_slice %arg4[%arg0, %mul3A_2] : memref<2x10240xf32, #tpu.memory_space<hbm>> -> memref<1x640xf32, #tpu.memory_space<hbm>>
      %dma_start3A_19 = tpu.memref_squeeze %dma_start3A_18 : memref<1x640xf32, #tpu.memory_space<hbm>> -> memref<640xf32, #tpu.memory_space<hbm>>
      tpu.enqueue_dma source(%arg8 : memref<640xf32, #tpu.memory_space<vmem>>) target(%dma_start3A_19 : memref<640xf32, #tpu.memory_space<hbm>>) target_semaphore(%run_scoped3A : memref<!tpu.dma_semaphore, #tpu.memory_space<semaphore_mem>>)
      %dma_wait3A = tpu.memref_slice %arg4[%arg0, %mul3A_2] : memref<2x10240xf32, #tpu.memory_space<hbm>> -> memref<1x640xf32, #tpu.memory_space<hbm>>
      %dma_wait3A_20 = tpu.memref_squeeze %dma_wait3A : memref<1x640xf32, #tpu.memory_space<hbm>> -> memref<640xf32, #tpu.memory_space<hbm>>
      %dma_wait3A_21 = tpu.memref_slice %arg4[%arg0, %mul3A_2] : memref<2x10240xf32, #tpu.memory_space<hbm>> -> memref<1x640xf32, #tpu.memory_space<hbm>>
      %dma_wait3A_22 = tpu.memref_squeeze %dma_wait3A_21 : memref<1x640xf32, #tpu.memory_space<hbm>> -> memref<640xf32, #tpu.memory_space<hbm>>
      tpu.wait_dma2 semaphore(%run_scoped3A : memref<!tpu.dma_semaphore, #tpu.memory_space<semaphore_mem>>) src(%arg8 : memref<640xf32, #tpu.memory_space<vmem>>) dst(%dma_wait3A_22 : memref<640xf32, #tpu.memory_space<hbm>>)
      tpu.yield
    }) : () -> ()
    return
  }
}

#map = affine_map<(d0, d1) -> (0)>
#map1 = affine_map<(d0, d1) -> (0, 0)>
#map2 = affine_map<(d0, d1) -> (0, 0, 0)>
module attributes {stable_mosaic.version = 14 : i64} {
  func.func @_spmm_body(%arg0: i32, %arg1: i32, %arg2: memref<323584xi32, #tpu.memory_space<hbm>>, %arg3: memref<323584xi32, #tpu.memory_space<hbm>>, %arg4: memref<10240x128xf32, #tpu.memory_space<hbm>>, %arg5: memref<10240x128xf32, #tpu.memory_space<hbm>>, %arg6: memref<2x10240x128xf32, #tpu.memory_space<hbm>>, %arg7: memref<10240x128xf32, #tpu.memory_space<vmem_shared>>, %arg8: memref<128xi32, #tpu.memory_space<vmem>>, %arg9: memref<128xi32, #tpu.memory_space<vmem>>, %arg10: memref<128x128xf32, #tpu.memory_space<vmem>>, %arg11: memref<!tpu.dma_semaphore, #tpu.memory_space<semaphore_mem>>) attributes {dimension_semantics = [#tpu.dimension_semantics<core_parallel>, #tpu.dimension_semantics<subcore_parallel>], iteration_bounds = array<i64: 2, 16>, scalar_prefetch = 0 : i64, scratch_operands = 5 : i64, tpu.core_type = #tpu.core_type<sc_vector_subcore>, window_params = [{transform_indices = #map}, {transform_indices = #map}, {transform_indices = #map1}, {transform_indices = #map1}, {transform_indices = #map2}]} {
    %mul3A = arith.constant 16 : i32
    %mul3A_0 = arith.muli %arg0, %mul3A : i32
    %add3A = arith.addi %mul3A_0, %arg1 : i32
    %mul3A_1 = arith.constant 640 : i32
    %mul3A_2 = arith.muli %arg1, %mul3A_1 : i32
    "tpu.region"() ({
      %run_scoped3A = tpu.sem_alloc : memref<!tpu.dma_semaphore, #tpu.memory_space<semaphore_mem>>
      %dma_start3A = arith.constant 0 : i32
      %dma_start3A_11 = tpu.memref_slice %arg7[%mul3A_2, %dma_start3A] : memref<10240x128xf32, #tpu.memory_space<vmem_shared>> -> memref<640x128xf32, #tpu.memory_space<vmem_shared>>
      %dma_start3A_12 = arith.constant 0 : i32
      %dma_start3A_13 = tpu.memref_slice %arg5[%mul3A_2, %dma_start3A_12] : memref<10240x128xf32, #tpu.memory_space<hbm>> -> memref<640x128xf32, #tpu.memory_space<hbm>>
      tpu.enqueue_dma source(%dma_start3A_13 : memref<640x128xf32, #tpu.memory_space<hbm>>) target(%dma_start3A_11 : memref<640x128xf32, #tpu.memory_space<vmem_shared>>) target_semaphore(%run_scoped3A : memref<!tpu.dma_semaphore, #tpu.memory_space<semaphore_mem>>)
      %dma_wait3A = arith.constant 0 : i32
      %dma_wait3A_14 = tpu.memref_slice %arg7[%mul3A_2, %dma_wait3A] : memref<10240x128xf32, #tpu.memory_space<vmem_shared>> -> memref<640x128xf32, #tpu.memory_space<vmem_shared>>
      %dma_wait3A_15 = arith.constant 0 : i32
      %dma_wait3A_16 = tpu.memref_slice %arg5[%mul3A_2, %dma_wait3A_15] : memref<10240x128xf32, #tpu.memory_space<hbm>> -> memref<640x128xf32, #tpu.memory_space<hbm>>
      tpu.wait_dma2 semaphore(%run_scoped3A : memref<!tpu.dma_semaphore, #tpu.memory_space<semaphore_mem>>) src(%dma_wait3A_16 : memref<640x128xf32, #tpu.memory_space<hbm>>) dst(%dma_wait3A_14 : memref<640x128xf32, #tpu.memory_space<vmem_shared>>)
      tpu.yield
    }) : () -> ()
    %barrier3A = arith.constant 0 : index
    tpu.barrier barrier_id(%barrier3A)
    %mul3A_3 = arith.constant 10112 : i32
    %mul3A_4 = arith.muli %add3A, %mul3A_3 : i32
    %scan3A = arith.constant 0 : i32
    %scan3A_5 = arith.constant 0 : i32
    %scan3A_6 = arith.constant 79 : i32
    %scan3A_7 = arith.addi %scan3A_5, %scan3A_6 : i32
    %scan3A_8 = arith.constant 1 : i32
    scf.for %scan3A_11 = %scan3A_5 to %scan3A_7 step %scan3A_8  : i32 {
      %mul3A_12 = arith.constant 128 : i32
      %mul3A_13 = arith.muli %scan3A_11, %mul3A_12 : i32
      %add3A_14 = arith.addi %mul3A_4, %mul3A_13 : i32
      "tpu.region"() ({
        %run_scoped3A = tpu.sem_alloc : memref<!tpu.dma_semaphore, #tpu.memory_space<semaphore_mem>>
        %dma_start3A_19 = tpu.memref_slice %arg2[%add3A_14] : memref<323584xi32, #tpu.memory_space<hbm>> -> memref<128xi32, #tpu.memory_space<hbm>>
        %dma_start3A_20 = tpu.memref_slice %arg2[%add3A_14] : memref<323584xi32, #tpu.memory_space<hbm>> -> memref<128xi32, #tpu.memory_space<hbm>>
        tpu.enqueue_dma source(%dma_start3A_20 : memref<128xi32, #tpu.memory_space<hbm>>) target(%arg8 : memref<128xi32, #tpu.memory_space<vmem>>) target_semaphore(%run_scoped3A : memref<!tpu.dma_semaphore, #tpu.memory_space<semaphore_mem>>)
        %dma_wait3A_21 = tpu.memref_slice %arg2[%add3A_14] : memref<323584xi32, #tpu.memory_space<hbm>> -> memref<128xi32, #tpu.memory_space<hbm>>
        %dma_wait3A_22 = tpu.memref_slice %arg2[%add3A_14] : memref<323584xi32, #tpu.memory_space<hbm>> -> memref<128xi32, #tpu.memory_space<hbm>>
        tpu.wait_dma2 semaphore(%run_scoped3A : memref<!tpu.dma_semaphore, #tpu.memory_space<semaphore_mem>>) src(%dma_wait3A_22 : memref<128xi32, #tpu.memory_space<hbm>>) dst(%arg8 : memref<128xi32, #tpu.memory_space<vmem>>)
        tpu.yield
      }) : () -> ()
      "tpu.region"() ({
        %run_scoped3A = tpu.sem_alloc : memref<!tpu.dma_semaphore, #tpu.memory_space<semaphore_mem>>
        %dma_start3A_19 = tpu.memref_slice %arg3[%add3A_14] : memref<323584xi32, #tpu.memory_space<hbm>> -> memref<128xi32, #tpu.memory_space<hbm>>
        %dma_start3A_20 = tpu.memref_slice %arg3[%add3A_14] : memref<323584xi32, #tpu.memory_space<hbm>> -> memref<128xi32, #tpu.memory_space<hbm>>
        tpu.enqueue_dma source(%dma_start3A_20 : memref<128xi32, #tpu.memory_space<hbm>>) target(%arg9 : memref<128xi32, #tpu.memory_space<vmem>>) target_semaphore(%run_scoped3A : memref<!tpu.dma_semaphore, #tpu.memory_space<semaphore_mem>>)
        %dma_wait3A_21 = tpu.memref_slice %arg3[%add3A_14] : memref<323584xi32, #tpu.memory_space<hbm>> -> memref<128xi32, #tpu.memory_space<hbm>>
        %dma_wait3A_22 = tpu.memref_slice %arg3[%add3A_14] : memref<323584xi32, #tpu.memory_space<hbm>> -> memref<128xi32, #tpu.memory_space<hbm>>
        tpu.wait_dma2 semaphore(%run_scoped3A : memref<!tpu.dma_semaphore, #tpu.memory_space<semaphore_mem>>) src(%dma_wait3A_22 : memref<128xi32, #tpu.memory_space<hbm>>) dst(%arg9 : memref<128xi32, #tpu.memory_space<vmem>>)
        tpu.yield
      }) : () -> ()
      %dma_start3A = arith.constant 0 : i32
      %dma_start3A_15 = arith.constant 0 : i32
      %dma_start3A_16 = tpu.memref_slice %arg4[%dma_start3A, %dma_start3A_15] : memref<10240x128xf32, #tpu.memory_space<hbm>> -> memref<10240x128xf32, #tpu.memory_space<hbm>>
      tpu.enqueue_indirect_dma source(%dma_start3A_16 : memref<10240x128xf32, #tpu.memory_space<hbm>>) target(%arg10 : memref<128x128xf32, #tpu.memory_space<vmem>>) offsets(%arg8 : memref<128xi32, #tpu.memory_space<vmem>>) semaphore(%arg11 : memref<!tpu.dma_semaphore, #tpu.memory_space<semaphore_mem>>)
      %dma_wait3A = arith.constant 0 : i32
      %dma_wait3A_17 = arith.constant 0 : i32
      %dma_wait3A_18 = tpu.memref_slice %arg4[%dma_wait3A, %dma_wait3A_17] : memref<10240x128xf32, #tpu.memory_space<hbm>> -> memref<10240x128xf32, #tpu.memory_space<hbm>>
      tpu.wait_indirect_dma semaphore(%arg11 : memref<!tpu.dma_semaphore, #tpu.memory_space<semaphore_mem>>) src(%dma_wait3A_18 : memref<10240x128xf32, #tpu.memory_space<hbm>>) dst(%arg10 : memref<128x128xf32, #tpu.memory_space<vmem>>)
      "tpu.region"() ({
        %run_scoped3A = tpu.sem_alloc : memref<!tpu.dma_semaphore, #tpu.memory_space<semaphore_mem>>
        %dma_start3A_19 = arith.constant 0 : i32
        %dma_start3A_20 = arith.constant 0 : i32
        %dma_start3A_21 = tpu.memref_slice %arg7[%dma_start3A_19, %dma_start3A_20] : memref<10240x128xf32, #tpu.memory_space<vmem_shared>> -> memref<10240x128xf32, #tpu.memory_space<vmem_shared>>
        tpu.enqueue_indirect_dma source(%arg10 : memref<128x128xf32, #tpu.memory_space<vmem>>) target(%dma_start3A_21 : memref<10240x128xf32, #tpu.memory_space<vmem_shared>>) offsets(%arg9 : memref<128xi32, #tpu.memory_space<vmem>>) semaphore(%run_scoped3A : memref<!tpu.dma_semaphore, #tpu.memory_space<semaphore_mem>>) {add = true}
        %dma_wait3A_22 = arith.constant 0 : i32
        %dma_wait3A_23 = arith.constant 0 : i32
        %dma_wait3A_24 = tpu.memref_slice %arg7[%dma_wait3A_22, %dma_wait3A_23] : memref<10240x128xf32, #tpu.memory_space<vmem_shared>> -> memref<10240x128xf32, #tpu.memory_space<vmem_shared>>
        tpu.wait_indirect_dma semaphore(%run_scoped3A : memref<!tpu.dma_semaphore, #tpu.memory_space<semaphore_mem>>) src(%arg10 : memref<128x128xf32, #tpu.memory_space<vmem>>) dst(%dma_wait3A_24 : memref<10240x128xf32, #tpu.memory_space<vmem_shared>>)
        tpu.yield
      }) : () -> ()
    }
    %scan3A_9 = arith.constant 79 : i32
    %barrier3A_10 = arith.constant 0 : index
    tpu.barrier barrier_id(%barrier3A_10)
    "tpu.region"() ({
      %run_scoped3A = tpu.sem_alloc : memref<!tpu.dma_semaphore, #tpu.memory_space<semaphore_mem>>
      %dma_start3A = arith.constant 0 : i32
      %dma_start3A_11 = tpu.memref_slice %arg6[%arg0, %mul3A_2, %dma_start3A] : memref<2x10240x128xf32, #tpu.memory_space<hbm>> -> memref<1x640x128xf32, #tpu.memory_space<hbm>>
      %dma_start3A_12 = tpu.memref_squeeze %dma_start3A_11 : memref<1x640x128xf32, #tpu.memory_space<hbm>> -> memref<640x128xf32, #tpu.memory_space<hbm>>
      %dma_start3A_13 = arith.constant 0 : i32
      %dma_start3A_14 = tpu.memref_slice %arg7[%mul3A_2, %dma_start3A_13] : memref<10240x128xf32, #tpu.memory_space<vmem_shared>> -> memref<640x128xf32, #tpu.memory_space<vmem_shared>>
      tpu.enqueue_dma source(%dma_start3A_14 : memref<640x128xf32, #tpu.memory_space<vmem_shared>>) target(%dma_start3A_12 : memref<640x128xf32, #tpu.memory_space<hbm>>) target_semaphore(%run_scoped3A : memref<!tpu.dma_semaphore, #tpu.memory_space<semaphore_mem>>)
      %dma_wait3A = arith.constant 0 : i32
      %dma_wait3A_15 = tpu.memref_slice %arg6[%arg0, %mul3A_2, %dma_wait3A] : memref<2x10240x128xf32, #tpu.memory_space<hbm>> -> memref<1x640x128xf32, #tpu.memory_space<hbm>>
      %dma_wait3A_16 = tpu.memref_squeeze %dma_wait3A_15 : memref<1x640x128xf32, #tpu.memory_space<hbm>> -> memref<640x128xf32, #tpu.memory_space<hbm>>
      %dma_wait3A_17 = arith.constant 0 : i32
      %dma_wait3A_18 = tpu.memref_slice %arg7[%mul3A_2, %dma_wait3A_17] : memref<10240x128xf32, #tpu.memory_space<vmem_shared>> -> memref<640x128xf32, #tpu.memory_space<vmem_shared>>
      tpu.wait_dma2 semaphore(%run_scoped3A : memref<!tpu.dma_semaphore, #tpu.memory_space<semaphore_mem>>) src(%dma_wait3A_18 : memref<640x128xf32, #tpu.memory_space<vmem_shared>>) dst(%dma_wait3A_16 : memref<640x128xf32, #tpu.memory_space<hbm>>)
      tpu.yield
    }) : () -> ()
    return
  }
}

module attributes {stable_mosaic.version = 14 : i64} {
  func.func @_tc_scale_body(%arg0: i32, %arg1: memref<2048x1xf32, #tpu.memory_space<vmem>>, %arg2: memref<2048x1xf32, #tpu.memory_space<vmem>>, %arg3: memref<2048x128xf32, #tpu.memory_space<vmem>>, %arg4: memref<2048x1xf32, #tpu.memory_space<vmem>>, %arg5: memref<2048x128xf32, #tpu.memory_space<vmem>>) attributes {dimension_semantics = [#tpu.dimension_semantics<arbitrary>], iteration_bounds = array<i64: 5>, scalar_prefetch = 0 : i64, scratch_operands = 0 : i64, tpu.core_type = #tpu.core_type<tc>, window_params = [{transform_indices = @transform_0, window_bounds = array<i64: 2048, 1>}, {transform_indices = @transform_1, window_bounds = array<i64: 2048, 1>}, {transform_indices = @transform_2, window_bounds = array<i64: 2048, 128>}, {transform_indices = @transform_3, window_bounds = array<i64: 2048, 1>}, {transform_indices = @transform_4, window_bounds = array<i64: 2048, 128>}]} {
    %get3A = arith.constant 0 : index
    %get3A_0 = arith.constant 0 : index
    %get3A_1 = vector.load %arg1[%get3A, %get3A_0] : memref<2048x1xf32, #tpu.memory_space<vmem>>, vector<2048x1xf32>
    %get3A_2 = arith.constant 0 : index
    %get3A_3 = arith.constant 0 : index
    %get3A_4 = vector.load %arg2[%get3A_2, %get3A_3] : memref<2048x1xf32, #tpu.memory_space<vmem>>, vector<2048x1xf32>
    %add3A = arith.addf %get3A_1, %get3A_4 : vector<2048x1xf32>
    %add3A_5 = arith.constant 1.000000e+00 : f32
    %add3A_6 = vector.broadcast %add3A_5 : f32 to vector<2048x1xf32>
    %add3A_7 = arith.addf %add3A, %add3A_6 : vector<2048x1xf32>
    %rsqrt3A = math.rsqrt %add3A_7 : vector<2048x1xf32>
    %swap3A = arith.constant 0 : index
    %swap3A_8 = arith.constant 0 : index
    %swap3A_9 = vector.load %arg4[%swap3A, %swap3A_8] : memref<2048x1xf32, #tpu.memory_space<vmem>>, vector<2048x1xf32>
    tpu.vector_store %arg4[%swap3A, %swap3A_8], %rsqrt3A {strides = array<i32>} : memref<2048x1xf32, #tpu.memory_space<vmem>>, vector<2048x1xf32>,
    %get3A_10 = arith.constant 0 : index
    %get3A_11 = arith.constant 0 : index
    %get3A_12 = vector.load %arg3[%get3A_10, %get3A_11] : memref<2048x128xf32, #tpu.memory_space<vmem>>, vector<2048x128xf32>
    %mul3A = vector.broadcast %rsqrt3A : vector<2048x1xf32> to vector<2048x128xf32>
    %mul3A_13 = arith.mulf %get3A_12, %mul3A : vector<2048x128xf32>
    %swap3A_14 = arith.constant 0 : index
    %swap3A_15 = arith.constant 0 : index
    %swap3A_16 = vector.load %arg5[%swap3A_14, %swap3A_15] : memref<2048x128xf32, #tpu.memory_space<vmem>>, vector<2048x128xf32>
    tpu.vector_store %arg5[%swap3A_14, %swap3A_15], %mul3A_13 {strides = array<i32>} : memref<2048x128xf32, #tpu.memory_space<vmem>>, vector<2048x128xf32>,
    return
  }
  func.func @transform_0(%arg0: i32) -> (i32, i32) {
    %c0_i32 = arith.constant 0 : i32
    %c0_i32_0 = arith.constant 0 : i32
    return %arg0, %c0_i32 : i32, i32
  }
  func.func @transform_1(%arg0: i32) -> (i32, i32) {
    %c0_i32 = arith.constant 0 : i32
    %c0_i32_0 = arith.constant 0 : i32
    return %arg0, %c0_i32 : i32, i32
  }
  func.func @transform_2(%arg0: i32) -> (i32, i32) {
    %c0_i32 = arith.constant 0 : i32
    %c0_i32_0 = arith.constant 0 : i32
    return %arg0, %c0_i32 : i32, i32
  }
  func.func @transform_3(%arg0: i32) -> (i32, i32) {
    %c0_i32 = arith.constant 0 : i32
    %c0_i32_0 = arith.constant 0 : i32
    return %arg0, %c0_i32 : i32, i32
  }
  func.func @transform_4(%arg0: i32) -> (i32, i32) {
    %c0_i32 = arith.constant 0 : i32
    %c0_i32_0 = arith.constant 0 : i32
    return %arg0, %c0_i32 : i32, i32
  }
}

module attributes {stable_mosaic.version = 14 : i64} {
  func.func @_tc_mlp_body(%arg0: i32, %arg1: memref<2048x128xf32, #tpu.memory_space<vmem>>, %arg2: memref<2048x128xf32, #tpu.memory_space<vmem>>, %arg3: memref<2048x128xf32, #tpu.memory_space<vmem>>, %arg4: memref<2048x1xf32, #tpu.memory_space<vmem>>, %arg5: memref<128x256xf32, #tpu.memory_space<vmem>>, %arg6: memref<1x256xf32, #tpu.memory_space<vmem>>, %arg7: memref<256x128xf32, #tpu.memory_space<vmem>>, %arg8: memref<2048x128xf32, #tpu.memory_space<vmem>>) attributes {dimension_semantics = [#tpu.dimension_semantics<arbitrary>], iteration_bounds = array<i64: 5>, scalar_prefetch = 0 : i64, scratch_operands = 0 : i64, tpu.core_type = #tpu.core_type<tc>, window_params = [{transform_indices = @transform_0, window_bounds = array<i64: 2048, 128>}, {transform_indices = @transform_1, window_bounds = array<i64: 2048, 128>}, {transform_indices = @transform_2, window_bounds = array<i64: 2048, 128>}, {transform_indices = @transform_3, window_bounds = array<i64: 2048, 1>}, {pipeline_mode = #tpu.pipeline_mode<synchronous>, transform_indices = @transform_4, window_bounds = array<i64: 128, 256>}, {pipeline_mode = #tpu.pipeline_mode<synchronous>, transform_indices = @transform_5, window_bounds = array<i64: 1, 256>}, {pipeline_mode = #tpu.pipeline_mode<synchronous>, transform_indices = @transform_6, window_bounds = array<i64: 256, 128>}, {transform_indices = @transform_7, window_bounds = array<i64: 2048, 128>}]} {
    %get3A = arith.constant 0 : index
    %get3A_0 = arith.constant 0 : index
    %get3A_1 = vector.load %arg4[%get3A, %get3A_0] : memref<2048x1xf32, #tpu.memory_space<vmem>>, vector<2048x1xf32>
    %get3A_2 = arith.constant 0 : index
    %get3A_3 = arith.constant 0 : index
    %get3A_4 = vector.load %arg1[%get3A_2, %get3A_3] : memref<2048x128xf32, #tpu.memory_space<vmem>>, vector<2048x128xf32>
    %get3A_5 = arith.constant 0 : index
    %get3A_6 = arith.constant 0 : index
    %get3A_7 = vector.load %arg2[%get3A_5, %get3A_6] : memref<2048x128xf32, #tpu.memory_space<vmem>>, vector<2048x128xf32>
    %add3A = arith.addf %get3A_4, %get3A_7 : vector<2048x128xf32>
    %get3A_8 = arith.constant 0 : index
    %get3A_9 = arith.constant 0 : index
    %get3A_10 = vector.load %arg3[%get3A_8, %get3A_9] : memref<2048x128xf32, #tpu.memory_space<vmem>>, vector<2048x128xf32>
    %add3A_11 = arith.addf %add3A, %get3A_10 : vector<2048x128xf32>
    %mul3A = vector.broadcast %get3A_1 : vector<2048x1xf32> to vector<2048x128xf32>
    %mul3A_12 = arith.mulf %mul3A, %add3A_11 : vector<2048x128xf32>
    %get3A_13 = arith.constant 0 : index
    %get3A_14 = arith.constant 0 : index
    %get3A_15 = vector.load %arg5[%get3A_13, %get3A_14] : memref<128x256xf32, #tpu.memory_space<vmem>>, vector<128x256xf32>
    %dot_general3A = arith.constant dense<0.000000e+00> : vector<2048x256xf32>
    %dot_general3A_16 = tpu.matmul %mul3A_12, %get3A_15, %dot_general3A {dimension_numbers = #tpu.dot_dimension_numbers<[1], [0], [0], [1], [0, 0, 1, 1], [], []>, precision = #tpu.contract_precision<fp32>, transpose_lhs_hint = false} : vector<2048x128xf32>, vector<128x256xf32>, vector<2048x256xf32> -> vector<2048x256xf32>
    %get3A_17 = arith.constant 0 : index
    %get3A_18 = arith.constant 0 : index
    %get3A_19 = vector.load %arg6[%get3A_17, %get3A_18] : memref<1x256xf32, #tpu.memory_space<vmem>>, vector<1x256xf32>
    %add3A_20 = vector.broadcast %get3A_19 : vector<1x256xf32> to vector<2048x256xf32>
    %add3A_21 = arith.addf %dot_general3A_16, %add3A_20 : vector<2048x256xf32>
    %max3A = arith.constant 0.000000e+00 : f32
    %max3A_22 = vector.broadcast %max3A : f32 to vector<2048x256xf32>
    %max3A_23 = arith.maximumf %add3A_21, %max3A_22 : vector<2048x256xf32>
    %get3A_24 = arith.constant 0 : index
    %get3A_25 = arith.constant 0 : index
    %get3A_26 = vector.load %arg7[%get3A_24, %get3A_25] : memref<256x128xf32, #tpu.memory_space<vmem>>, vector<256x128xf32>
    %dot_general3A_27 = arith.constant dense<0.000000e+00> : vector<2048x128xf32>
    %dot_general3A_28 = tpu.matmul %max3A_23, %get3A_26, %dot_general3A_27 {dimension_numbers = #tpu.dot_dimension_numbers<[1], [0], [0], [1], [0, 0, 1, 1], [], []>, precision = #tpu.contract_precision<fp32>, transpose_lhs_hint = false} : vector<2048x256xf32>, vector<256x128xf32>, vector<2048x128xf32> -> vector<2048x128xf32>
    %mul3A_29 = vector.broadcast %get3A_1 : vector<2048x1xf32> to vector<2048x128xf32>
    %mul3A_30 = arith.mulf %dot_general3A_28, %mul3A_29 : vector<2048x128xf32>
    %swap3A = arith.constant 0 : index
    %swap3A_31 = arith.constant 0 : index
    %swap3A_32 = vector.load %arg8[%swap3A, %swap3A_31] : memref<2048x128xf32, #tpu.memory_space<vmem>>, vector<2048x128xf32>
    tpu.vector_store %arg8[%swap3A, %swap3A_31], %mul3A_30 {strides = array<i32>} : memref<2048x128xf32, #tpu.memory_space<vmem>>, vector<2048x128xf32>,
    return
  }
  func.func @transform_0(%arg0: i32) -> (i32, i32) {
    %c0_i32 = arith.constant 0 : i32
    %c0_i32_0 = arith.constant 0 : i32
    return %arg0, %c0_i32 : i32, i32
  }
  func.func @transform_1(%arg0: i32) -> (i32, i32) {
    %c0_i32 = arith.constant 0 : i32
    %c0_i32_0 = arith.constant 0 : i32
    return %arg0, %c0_i32 : i32, i32
  }
  func.func @transform_2(%arg0: i32) -> (i32, i32) {
    %c0_i32 = arith.constant 0 : i32
    %c0_i32_0 = arith.constant 0 : i32
    return %arg0, %c0_i32 : i32, i32
  }
  func.func @transform_3(%arg0: i32) -> (i32, i32) {
    %c0_i32 = arith.constant 0 : i32
    %c0_i32_0 = arith.constant 0 : i32
    return %arg0, %c0_i32 : i32, i32
  }
  func.func @transform_4(%arg0: i32) -> (i32, i32) {
    %c0_i32 = arith.constant 0 : i32
    %c0_i32_0 = arith.constant 0 : i32
    %c0_i32_1 = arith.constant 0 : i32
    return %c0_i32, %c0_i32_0 : i32, i32
  }
  func.func @transform_5(%arg0: i32) -> (i32, i32) {
    %c0_i32 = arith.constant 0 : i32
    %c0_i32_0 = arith.constant 0 : i32
    %c0_i32_1 = arith.constant 0 : i32
    return %c0_i32, %c0_i32_0 : i32, i32
  }
  func.func @transform_6(%arg0: i32) -> (i32, i32) {
    %c0_i32 = arith.constant 0 : i32
    %c0_i32_0 = arith.constant 0 : i32
    %c0_i32_1 = arith.constant 0 : i32
    return %c0_i32, %c0_i32_0 : i32, i32
  }
  func.func @transform_7(%arg0: i32) -> (i32, i32) {
    %c0_i32 = arith.constant 0 : i32
    %c0_i32_0 = arith.constant 0 : i32
    return %arg0, %c0_i32 : i32, i32
  }
}

module attributes {stable_mosaic.version = 14 : i64} {
  func.func @_tc_out_body(%arg0: i32, %arg1: memref<2048x128xf32, #tpu.memory_space<vmem>>, %arg2: memref<2048x128xf32, #tpu.memory_space<vmem>>, %arg3: memref<2048x128xf32, #tpu.memory_space<vmem>>, %arg4: memref<2048x1xf32, #tpu.memory_space<vmem>>, %arg5: memref<1x128xf32, #tpu.memory_space<vmem>>, %arg6: memref<2048x128xf32, #tpu.memory_space<vmem>>) attributes {dimension_semantics = [#tpu.dimension_semantics<arbitrary>], iteration_bounds = array<i64: 5>, scalar_prefetch = 0 : i64, scratch_operands = 0 : i64, tpu.core_type = #tpu.core_type<tc>, window_params = [{transform_indices = @transform_0, window_bounds = array<i64: 2048, 128>}, {transform_indices = @transform_1, window_bounds = array<i64: 2048, 128>}, {transform_indices = @transform_2, window_bounds = array<i64: 2048, 128>}, {transform_indices = @transform_3, window_bounds = array<i64: 2048, 1>}, {pipeline_mode = #tpu.pipeline_mode<synchronous>, transform_indices = @transform_4, window_bounds = array<i64: 1, 128>}, {transform_indices = @transform_5, window_bounds = array<i64: 2048, 128>}]} {
    %get3A = arith.constant 0 : index
    %get3A_0 = arith.constant 0 : index
    %get3A_1 = vector.load %arg4[%get3A, %get3A_0] : memref<2048x1xf32, #tpu.memory_space<vmem>>, vector<2048x1xf32>
    %get3A_2 = arith.constant 0 : index
    %get3A_3 = arith.constant 0 : index
    %get3A_4 = vector.load %arg1[%get3A_2, %get3A_3] : memref<2048x128xf32, #tpu.memory_space<vmem>>, vector<2048x128xf32>
    %get3A_5 = arith.constant 0 : index
    %get3A_6 = arith.constant 0 : index
    %get3A_7 = vector.load %arg2[%get3A_5, %get3A_6] : memref<2048x128xf32, #tpu.memory_space<vmem>>, vector<2048x128xf32>
    %add3A = arith.addf %get3A_4, %get3A_7 : vector<2048x128xf32>
    %get3A_8 = arith.constant 0 : index
    %get3A_9 = arith.constant 0 : index
    %get3A_10 = vector.load %arg3[%get3A_8, %get3A_9] : memref<2048x128xf32, #tpu.memory_space<vmem>>, vector<2048x128xf32>
    %add3A_11 = arith.addf %add3A, %get3A_10 : vector<2048x128xf32>
    %mul3A = vector.broadcast %get3A_1 : vector<2048x1xf32> to vector<2048x128xf32>
    %mul3A_12 = arith.mulf %mul3A, %add3A_11 : vector<2048x128xf32>
    %get3A_13 = arith.constant 0 : index
    %get3A_14 = arith.constant 0 : index
    %get3A_15 = vector.load %arg5[%get3A_13, %get3A_14] : memref<1x128xf32, #tpu.memory_space<vmem>>, vector<1x128xf32>
    %add3A_16 = vector.broadcast %get3A_15 : vector<1x128xf32> to vector<2048x128xf32>
    %add3A_17 = arith.addf %mul3A_12, %add3A_16 : vector<2048x128xf32>
    %max3A = arith.constant 0.000000e+00 : f32
    %max3A_18 = vector.broadcast %max3A : f32 to vector<2048x128xf32>
    %max3A_19 = arith.maximumf %add3A_17, %max3A_18 : vector<2048x128xf32>
    %swap3A = arith.constant 0 : index
    %swap3A_20 = arith.constant 0 : index
    %swap3A_21 = vector.load %arg6[%swap3A, %swap3A_20] : memref<2048x128xf32, #tpu.memory_space<vmem>>, vector<2048x128xf32>
    tpu.vector_store %arg6[%swap3A, %swap3A_20], %max3A_19 {strides = array<i32>} : memref<2048x128xf32, #tpu.memory_space<vmem>>, vector<2048x128xf32>,
    return
  }
  func.func @transform_0(%arg0: i32) -> (i32, i32) {
    %c0_i32 = arith.constant 0 : i32
    %c0_i32_0 = arith.constant 0 : i32
    return %arg0, %c0_i32 : i32, i32
  }
  func.func @transform_1(%arg0: i32) -> (i32, i32) {
    %c0_i32 = arith.constant 0 : i32
    %c0_i32_0 = arith.constant 0 : i32
    return %arg0, %c0_i32 : i32, i32
  }
  func.func @transform_2(%arg0: i32) -> (i32, i32) {
    %c0_i32 = arith.constant 0 : i32
    %c0_i32_0 = arith.constant 0 : i32
    return %arg0, %c0_i32 : i32, i32
  }
  func.func @transform_3(%arg0: i32) -> (i32, i32) {
    %c0_i32 = arith.constant 0 : i32
    %c0_i32_0 = arith.constant 0 : i32
    return %arg0, %c0_i32 : i32, i32
  }
  func.func @transform_4(%arg0: i32) -> (i32, i32) {
    %c0_i32 = arith.constant 0 : i32
    %c0_i32_0 = arith.constant 0 : i32
    %c0_i32_1 = arith.constant 0 : i32
    return %c0_i32, %c0_i32_0 : i32, i32
  }
  func.func @transform_5(%arg0: i32) -> (i32, i32) {
    %c0_i32 = arith.constant 0 : i32
    %c0_i32_0 = arith.constant 0 : i32
    return %arg0, %c0_i32 : i32, i32
  }
}

</mosaic_0001>

<sc_bundles>
// kernel: kernel.11.cloned.1.call-start
scs
__scs_entry_jumppad:
0x0: {  	(pc) =	sbr.rel $0x88, $3  }
0x1: {  	(tag) =	ssettag $0x0;
	lr =	simm.s32 $0x1  }
0x2: {  	[smem:$0x3F9B] =	sst lr;
	_ =	strace $0xD0000000  }
0x3: {  	_ = 	snop  }
0x4: {  	_ = 	snop  }
0x5: {  	_ = 	snop  }
0x6: {  	_ = 	snop  }
0x7: {  	_ = 	snop  }
__scs_overlays_trampoline_lowered:
0x8: {  	[smem:$0x3FAA] =	sst s0  }
0x9: {  	[smem:$0x3FAB] =	sst s1  }
0xa: {  	[smem:$0x3FAC] =	sst s2  }
0xb: {  	[smem:$0x3FAD] =	sst s3  }
0xc: {  	[smem:$0x3FAE] =	sst s4  }
0xd: {  	[smem:$0x3FAF] =	sst s5  }
0xe: {  	[smem:$0x3FB0] =	sst s6  }
0xf: {  	[smem:$0x3FB1] =	sst s7  }
0x10: {  	[smem:$0x3FB2] =	sst s8  }
0x11: {  	[smem:$0x3FB3] =	sst s9;
	s0 =	simm.s32 @!p0 $0x0  }
0x12: {  	s1 =	sld [smem:$0x3F99];
	s0 =	simm.s32 @p0 $0x1  }
0x13: {  	[smem:$0x3FB4] =	sst s0;
	s0 =	simm.s32 @!p1 $0x0  }
0x14: {  	s2 =	sld [smem:$0x3F98];
	s0 =	simm.s32 @p1 $0x1  }
0x15: {  	[smem:$0x3FB5] =	sst s0;
	s0 =	simm.s32 @!p2 $0x0  }
0x16: {  	s3 =	sld [smem:$0x3FDB];
	s0 =	simm.s32 @p2 $0x1  }
0x17: {  	s4 =	simm.s32 $0x1BF5;
	[smem:$0x3FB7] =	sst s0  }
0x18: {  	s0 =	sld [smem:$0x3F9A];
	_ =	swait.ge [sflag:s4], $0x0  }
0x19: {  	s7 =	sld [smem:$0x3F9B]  }
0x1a: {  	s8 =	sadd.s32 $0xFFFFE003, lr  }
0x1b: {  	s9 =	sadd.s32 $0xFFFFFEF7, lr;
	s5 =	simm.s32 $0xFFFFFFFF;
	p2 =	slt.u32 s8, $0xFFFFF086  }
0x1c: {  	p1 =	slt.u32 s9, $0xF7A;
	s5 =	simm.s32 @!p2 $0x0  }
0x1d: {  	s5 =	simm.s32 @p1 $0x1;
	p0 =	seq.s32 s7, s2  }
0x1e: {  	s7 =	smul.u32 @!p0 $0xF7A, s2;
	p2 =	seq.s32 @!p0 s5, $0x0  }
0x1f: {  	s9 =	smul.u32 $0xF7A, s1;
	s8 =	simm.s32 @!p0 $0x1BF5;
	p2 =	por !p2, p0  }
0x20: {  	[sflag:s8] =	ssyncset.s32 @!p0 $0xFFFFF086;
	s6 =	sadd.s32 @!p0 s3, s7;
	s7 =	simm.s32 @!p0 $0x108  }
0x21: {  	s3 =	sadd.s32 s3, s9;
	s6 =	sadd.s32 @!p0 $0x88, s6;
	s7 =	simm.s32 @p2 $0x1082  }
0x22: {  	[simem:s7], [sflag:s8] =	dma.local @!p0 [hbm:s6], $0xF7A  }
0x23: {  	s9 =	sor.u32 $0xD0000000, s2;
	s6 =	simm.s32 $0x108;
	_ =	swait.ge @!p0 [sflag:s8], $0x0  }
0x24: {  	s3 =	sadd.s32 $0x88, s3;
	s6 =	simm.s32 @!p1 $0x1082;
	[sflag:s4] =	ssyncset.s32 $0xFFFFF086  }
0x25: {  	[simem:s6], [sflag:s4] =	dma.local [hbm:s3], $0xF7A  }
0x26: {  	[smem:$0x3F9B] =	sst s1;
	(tag) =	ssettag s2;
	_ =	strace s9  }
0x27: {  	s1 =	sld [smem:$0x3FAB]  }
0x28: {  	s2 =	sld [smem:$0x3FAC]  }
0x29: {  	s4 =	sld [smem:$0x3FAE]  }
0x2a: {  	p0 =	seq.s32 s5, $0x0;
	s5 =	sld [smem:$0x3FAF]  }
0x2b: {  	s6 =	sld [smem:$0x3FB0]  }
0x2c: {  	s7 =	sld [smem:$0x3FB1]  }
0x2d: {  	s3 =	simm.s32 $0x108;
	s8 =	sld [smem:$0x3FB2]  }
0x2e: {  	s3 =	simm.s32 @!p0 $0x1082;
	s9 =	sld [smem:$0x3FB3]  }
0x2f: {  	lr =	sadd.s32 s0, s3;
	s0 =	sld [smem:$0x3FAA]  }
0x30: {  	s3 =	sld [smem:$0x3FAD]  }
0x31: {  	[smem:$0x3FB6] =	sst s10  }
0x32: {  	s10 =	sld [smem:$0x3FB4];
	_ =	sdelay $0x3  }
0x33: {  	p0 =	seq.s32 s10, $0x1;
	s10 =	sld [smem:$0x3FB6];
	_ =	sdelay $0x3  }
0x34: {  	[smem:$0x3FB6] =	sst s10  }
0x35: {  	s10 =	sld [smem:$0x3FB5];
	_ =	sdelay $0x3  }
0x36: {  	p1 =	seq.s32 s10, $0x1;
	s10 =	sld [smem:$0x3FB6];
	_ =	sdelay $0x3  }
0x37: {  	[smem:$0x3FB6] =	sst s10  }
0x38: {  	s10 =	sld [smem:$0x3FB7]  }
0x39: {  	_ = 	snop;
	(pc) =	sbr.ind lr, $3  }
0x3a: {  	_ = 	snop  }
0x3b: {  	_ = 	snop  }
0x3c: {  	p2 =	seq.s32 s10, $0x1;
	s10 =	sld [smem:$0x3FB6]  }
0x3d: {  	_ =	shalt  }
0x3e: {  	_ =	shalt  }
0x3f: {  	_ =	shalt  }
0x40: {  	_ =	shalt  }
0x41: {  	_ =	shalt  }
0x42: {  	_ =	shalt  }
0x43: {  	_ =	shalt  }
0x44: {  	_ =	shalt  }
0x45: {  	_ =	shalt  }
0x46: {  	_ =	shalt  }
0x47: {  	_ =	shalt  }
0x48: {  	_ =	shalt  }
0x49: {  	_ =	shalt  }
0x4a: {  	_ =	shalt  }
0x4b: {  	_ =	shalt  }
0x4c: {  	_ =	shalt  }
0x4d: {  	_ =	shalt  }
0x4e: {  	_ =	shalt  }
0x4f: {  	_ =	shalt  }
0x50: {  	_ =	shalt  }
0x51: {  	_ =	shalt  }
0x52: {  	_ =	shalt  }
0x53: {  	_ =	shalt  }
0x54: {  	_ =	shalt  }
0x55: {  	_ =	shalt  }
0x56: {  	_ =	shalt  }
0x57: {  	_ =	shalt  }
0x58: {  	_ =	shalt  }
0x59: {  	_ =	shalt  }
0x5a: {  	_ =	shalt  }
0x5b: {  	_ =	shalt  }
0x5c: {  	_ =	shalt  }
0x5d: {  	_ =	shalt  }
0x5e: {  	_ =	shalt  }
0x5f: {  	_ =	shalt  }
0x60: {  	_ =	shalt  }
0x61: {  	_ =	shalt  }
0x62: {  	_ =	shalt  }
0x63: {  	_ =	shalt  }
0x64: {  	_ =	shalt  }
0x65: {  	_ =	shalt  }
0x66: {  	_ =	shalt  }
0x67: {  	_ =	shalt  }
0x68: {  	_ =	shalt  }
0x69: {  	_ =	shalt  }
0x6a: {  	_ =	shalt  }
0x6b: {  	_ =	shalt  }
0x6c: {  	_ =	shalt  }
0x6d: {  	_ =	shalt  }
0x6e: {  	_ =	shalt  }
0x6f: {  	_ =	shalt  }
0x70: {  	_ =	shalt  }
0x71: {  	_ =	shalt  }
0x72: {  	_ =	shalt  }
0x73: {  	_ =	shalt  }
0x74: {  	_ =	shalt  }
0x75: {  	_ =	shalt  }
0x76: {  	_ =	shalt  }
0x77: {  	_ =	shalt  }
0x78: {  	_ =	shalt  }
0x79: {  	_ =	shalt  }
0x7a: {  	_ =	shalt  }
0x7b: {  	_ =	shalt  }
0x7c: {  	_ =	shalt  }
0x7d: {  	_ =	shalt  }
0x7e: {  	_ =	shalt  }
0x7f: {  	_ =	shalt  }
0x80: {  	_ =	shalt  }
0x81: {  	_ =	shalt  }
0x82: {  	_ =	shalt  }
0x83: {  	_ =	shalt  }
0x84: {  	_ =	shalt  }
0x85: {  	_ =	shalt  }
0x86: {  	_ =	shalt  }
0x87: {  	_ =	shalt  }
.Lfunc_end0:
.L_simem_size_0:
called_computation.1_lowered:
.L_overlay_start_0:
0x88: {  	s2 =	sld [smem:$0x3FD9]  }
0x89: {  	s3 =	sld [smem:$0x3FFE];
	_ =	sdelay $0x1  }
0x8a: {  	s1 =	srdreg.scid  }
0x8b: {  	s0 =	sand.u32 $0x1, s1  }
0x8c: {  	s17 =	sshll.u32 s0, $0xA;
	s2 =	sadd.s32 s3, s2  }
0x8d: {  	s2 =	sadd.s32 s2, s17  }
0x8e: {  	[smem:$0x3FC2] =	sst s2  }
0x8f: {  	_ = 	snop  }
0x90: {  	s2 =	sld [smem:$0x3FD0];
	(tm) =	ssettm $0x1  }
0x91: {  	s18 =	sld [smem:$0x3FFB];
	_ =	sdelay $0x3  }
0x92: {  	_ =	strace s18  }
0x93: {  	s3 =	sld [smem:$0x3FFC];
	_ =	sdelay $0x3  }
0x94: {  	_ =	strace s3  }
0x95: {  	s3 =	sld [smem:$0x3FFD];
	_ =	sdelay $0x3  }
0x96: {  	_ =	strace s3  }
0x97: {  	_ =	strace $0x8FFFFFFF  }
0x98: {  	s19 =	sld [smem:$0x3FDB];
	_ =	sdelay $0x1  }
0x99: {  	s4 =	simm.s32 $_scs_section_size  }
0x9a: {  	s5 =	simm.s32 $_size__tile_overlayer_lowered;
	s6 =	simm.s32 $_tile_overlayer_lowered  }
0x9b: {  	s22 =	simm.s32 $0x1BFF;
	s21 =	sshll.u32 s6, $0x1;
	s3 =	sadd.s32 s4, s19  }
0x9c: {  	s7 =	simm.s32 $0x0;
	s20 =	sshll.u32 s5, $0x1;
	s5 =	sadd.s32 s21, s3  }
0x9d: {  	[timem:s7], [sflag:s22] =	dma.local [hbm:s5], s20  }
0x9e: {  	_ =	swait.ge [sflag:s22], s20  }
0x9f: {  	s4 =	ssub.s32 $0x0, s20;
	[sflag:s22] =	ssyncset.done $0x0  }
0xa0: {  	[sflag:s22] =	ssyncadd.s32 s4;
	_ =	sdelay $0x1  }
0xa1: {  	s23 =	simm.s32 $0x1B8B  }
0xa2: {  	_ =	swait.ge [sflag:s23], $0x1  }
0xa3: {  	[sflag:s23] =	ssyncset.done $0x0  }
0xa4: {  	s25 =	simm.s32 $0x1B8E;
	s24 =	sld [smem:$0x3FFE];
	[sflag:s23] =	ssyncadd.s32 $0xFFFFFFFF  }
0xa5: {  	s26 =	simm.s32 $execute0_lowered;
	[smem:$0x3FD2] =	sst s25  }
0xa6: {  	s5 =	sshll.u32 s26, $0x1;
	_ =	strace $0x80000049;
	[dreg:$0x1] =	wrdreg $0xFFFFFFFF  }
0xa7: {  	s28 =	simm.s32 $_size_execute0_lowered;
	s3 =	sadd.s32 s3, s5;
	[dreg:$0x0] =	wrdreg $0x0  }
0xa8: {  	s5 =	sshll.u32 s28, $0x1;
	[dreg:$0x2] =	wrdreg s3  }
0xa9: {  	[dreg:$0x3] =	wrdreg s5  }
0xaa: {  	[dreg:$0x4] =	wrdreg $0xC0  }
0xab: {  	_ =	task [dreg:s7], $0x5FFFF  }
0xac: {  	[dreg:$0x1] =	wrdreg $0xFFFFFFFF  }
0xad: {  	[dreg:$0x0] =	wrdreg $0x60  }
0xae: {  	[dreg:$0x2] =	wrdreg s2  }
0xaf: {  	[dreg:$0x3] =	wrdreg s24  }
0xb0: {  	[dreg:$0x4] =	wrdreg $0x0  }
0xb1: {  	[dreg:$0x5] =	wrdreg $0x9  }
0xb2: {  	_ =	task.clear_ibuf [dreg:s7], $0x6FFFF;
	_ =	strace $0x90000049  }
0xb3: {  	s29 =	simm.s32 $0x9;
	_ =	strace $0x8000004B  }
0xb4: {  	_ =	swait.ge [sflag:s29], $0x1  }
0xb5: {  	[sflag:s29] =	ssyncadd.s32 $0xFFFFFFFF  }
0xb6: {  	_ =	strace $0x9000004B  }
0xb7: {  	_ =	sfence  }
0xb8: {  	s30 =	sld [smem:$0x0];
	_ =	sdelay $0x2  }
0xb9: {  	s31 =	sshll.u32 s1, $0xD;
	s1 =	sshrl.u32 s1, $0x2  }
0xba: {  	s3 =	sand.u32 $0x4000, s31;
	s1 =	sadd.s32 s1, s30  }
0xbb: {  	s0 =	sor.u32 s3, s0;
	s1 =	sshll.u32 s1, $0x11  }
0xbc: {  	s0 =	sor.u32 s1, s0  }
0xbd: {  	s0 =	sadd.s32 $0x8F2B, s0  }
0xbe: {  	[sflag:s0] =	ssyncadd.remote.s32 $0x1  }
0xbf: {  	_ =	sfence.sel $0xFFFF  }
0xc0: {  	[dreg:$0x0] =	wrdreg $0xFFFFFFFF;
	(pc) =	sbr.abs _section_cstart, $3  }
0xc1: {  	[dreg:$0x1] =	wrdreg $0xFFFFFFFF  }
0xc2: {  	_ =	task.clear_ibuf [dreg:s7], $0x2FFFF;
	_ =	strace $0x9FFFFFFF  }
0xc3: {  	(tm) =	ssettm $0x7FFFFFFF  }
tec
execute0_lowered:
.L_overlay_start_1:
0x0: {  	(tag) =	ssettag $0x1  }
0x1: {  	s10 =	rddreg [dreg:$0x0]  }
0x2: {  	s5 =	rddreg [dreg:$0x1];
	s0 =	srdreg.scid  }
0x3: {  	s2 =	rddreg [dreg:$0x2];
	s1 =	stileid.u32  }
0x4: {  	s3 =	simm.s32 $0x0;
	s16 =	simm.s32 $0x14100;
	s7 =	smul.u32 $0x14000, s1  }
0x5: {  	s17 =	simm.s32 $0x1;
	s18 =	simm.s32 $0x0;
	s28 =	smul.u32 $0x50000, s1  }
0x6: {  	s6 =	sand.u32 $0x1, s0;
	s0 =	rddreg [dreg:$0x3];
	s14 =	smul.u32 $0x4F0, s1  }
0x7: {  	[smem:$0x7FF] =	sst s3;
	s4 =	sadd.s32 $0xC800, s5;
	s11 =	smul.u32 $0x4F00, s6  }
0x8: {  	s31 =	sshll.u32 s1, $0x6;
	s8 =	smul.u32 $0x140000, s6;
	s6 =	ssub.s32 $0x2, s6  }
0x9: {  	_ =	strace $0x8000004A;
	s12 =	sshrl.u32 s7, $0x3;
	s29 =	sshrl.u32 s6, $0x1  }
0xa: {  	s30 =	sshrl.u32 s28, $0x2;
	s9 =	sadd.s32 s11, s5;
	s7 =	sadd.s32 s7, s8  }
0xb: {  	s12 =	sadd.s32 s12, s5;
	s13 =	ssub.s32 s6, s29;
	s15 =	sadd.s32 s30, s2  }
0xc: {  	s6 =	sor.u32 $0x1C02, s31;
	s10 =	sadd.s32 s11, s10;
	s7 =	sshrl.u32 s7, $0x3  }
0xd: {  	s9 =	sadd.s32 s14, s9;
	s8 =	smax.u32 s13, $0x1;
	s10 =	sadd.s32 s14, s10  }
0xe: {  	s11 =	sshrl.u32 s15, $0x3;
	s13 =	simm.s32 $0x14000;
	s14 =	simm.s32 $0x14080  }
0xf: {  	s15 =	simm.s32 $0x80;
	s7 =	sadd.s32 s7, s5;
	s5 =	sadd.s32 $0x5C800, s12  }
0x10: {  	s9 =	sadd.s32 $0x2A00, s9;
	s12 =	simm.s32 $0x2;
	s7 =	sadd.s32 $0x84800, s7  }
.LBB2_1:
0x11: {  	[spmem:s11], [sflag:s6] =	dma.local [hbm:s5], $0x2800  }
0x12: {  	_ =	swait.ge [sflag:s12], $0x2800  }
0x13: {  	[sflag:s12] =	ssyncset.done $0x0  }
0x14: {  	[sflag:s12] =	ssyncadd.s32 $0xFFFFD800  }
0x15: {  	s19 =	sadd.s32 $0x0, s10;
	[bflag:$0x0] =	sbarrier.arrive $0xFFFF  }
0x16: {  	[tilespmem:s13], [sflag:$0x2] =	stream.linear.gather [hbm4b:s19+s3], $0x80, $0x38;
	[tilespmem:$0x18100] =	vst v63  }
0x17: {  	_ =	swait.ge [sflag:s12], $0x80  }
0x18: {  	[sflag:s12] =	ssyncset.done $0x0  }
0x19: {  	s31 =	sadd.s32 $0x0, s9;
	[sflag:s12] =	ssyncadd.s32 $0xFFFFFF80  }
0x1a: {  	[tilespmem:s14], [sflag:$0x2] =	stream.linear.gather [hbm4b:s31+s3], $0x80, $0x38;
	[tilespmem:$0x18100] =	vst v63  }
0x1b: {  	_ =	swait.ge [sflag:s12], $0x80  }
0x1c: {  	[sflag:s12] =	ssyncset.done $0x0  }
0x1d: {  	[sflag:s12] =	ssyncadd.s32 $0xFFFFFF80  }
0x1e: {  	[tilespmem:s16], [sflag:$0x1] =	stream.indirect.gather [hbm4b:s4+s15], $0x80, s13, s15, $0xb8;
	[tilespmem:$0x18100] =	vst v63  }
0x1f: {  	_ =	swait.ge [sflag:s17], $0x4000  }
0x20: {  	[sflag:s17] =	ssyncset.done $0x0  }
0x21: {  	[sflag:s17] =	ssyncadd.s32 $0xFFFFC000  }
0x22: {  	[spmem:s2] =	stream.indirect.scatter.add.f32 [tilespmem:s16], [sflag:$0x2], $0x80, s14, s15, $0xb8;
	[tilespmem:$0x18100] =	vst v63  }
0x23: {  	_ =	swait.ge [sflag:s12], $0x4000  }
0x24: {  	s20 =	simm.s32 $0x20;
	s19 =	simm.s32 $0x10;
	[sflag:s12] =	ssyncset.done $0x0  }
.LBB2_2:
0x25: {  	s21 =	sadd.s32 s19, s10  }
0x26: {  	[sflag:s12] =	ssyncadd.s32 $0xFFFFC000;
	s22 =	smov.u32 s20;
	s23 =	sadd.s32 $0x10, s20  }
0x27: {  	[tilespmem:s13], [sflag:$0x2] =	stream.linear.gather [hbm4b:s21+s3], $0x80, $0x38;
	[tilespmem:$0x18100] =	vst v63  }
0x28: {  	p0 =	sne.s32 s20, $0x4E0;
	_ =	swait.ge [sflag:s12], $0x80  }
0x29: {  	[sflag:s12] =	ssyncset.done $0x0  }
0x2a: {  	s20 =	sadd.s32 s19, s9;
	s19 =	smov.u32 s22;
	[sflag:s12] =	ssyncadd.s32 $0xFFFFFF80  }
0x2b: {  	[tilespmem:s14], [sflag:$0x2] =	stream.linear.gather [hbm4b:s20+s3], $0x80, $0x38;
	[tilespmem:$0x18100] =	vst v63  }
0x2c: {  	_ =	swait.ge [sflag:s12], $0x80  }
0x2d: {  	[sflag:s12] =	ssyncset.done $0x0  }
0x2e: {  	[sflag:s12] =	ssyncadd.s32 $0xFFFFFF80  }
0x2f: {  	[tilespmem:s16], [sflag:$0x1] =	stream.indirect.gather [hbm4b:s4+s15], $0x80, s13, s15, $0xb8;
	[tilespmem:$0x18100] =	vst v63  }
0x30: {  	_ =	swait.ge [sflag:s17], $0x4000  }
.Ltmp0:
0x31: {  	[sflag:s17] =	ssyncset.done $0x0;
	(pc) =	sbr.rel @p0 .LBB2_2-.Ltmp0, $4  }
0x32: {  	[sflag:s17] =	ssyncadd.s32 $0xFFFFC000  }
0x33: {  	[spmem:s2] =	stream.indirect.scatter.add.f32 [tilespmem:s16], [sflag:$0x2], $0x80, s14, s15, $0xb8;
	[tilespmem:$0x18100] =	vst v63  }
0x34: {  	_ =	swait.ge [sflag:s12], $0x4000  }
0x35: {  	s20 =	smov.u32 s23;
	[sflag:s12] =	ssyncset.done $0x0  }
0x36: {  	s20 =	sadd.s32 s19, s10;
	[sflag:s12] =	ssyncadd.s32 $0xFFFFC000  }
0x37: {  	[tilespmem:s13], [sflag:$0x2] =	stream.linear.gather [hbm4b:s20+s3], $0x80, $0x38;
	[tilespmem:$0x18100] =	vst v63  }
0x38: {  	_ =	swait.ge [sflag:s12], $0x80  }
0x39: {  	[sflag:s12] =	ssyncset.done $0x0  }
0x3a: {  	s31 =	sadd.s32 s19, s9;
	[sflag:s12] =	ssyncadd.s32 $0xFFFFFF80  }
0x3b: {  	[tilespmem:s14], [sflag:$0x2] =	stream.linear.gather [hbm4b:s31+s3], $0x80, $0x38;
	[tilespmem:$0x18100] =	vst v63  }
0x3c: {  	_ =	swait.ge [sflag:s12], $0x80  }
0x3d: {  	[sflag:s12] =	ssyncset.done $0x0  }
0x3e: {  	[sflag:s12] =	ssyncadd.s32 $0xFFFFFF80  }
0x3f: {  	[tilespmem:s16], [sflag:$0x1] =	stream.indirect.gather [hbm4b:s4+s15], $0x80, s13, s15, $0xb8;
	[tilespmem:$0x18100] =	vst v63  }
0x40: {  	_ =	swait.ge [sflag:s17], $0x4000  }
0x41: {  	[sflag:s17] =	ssyncset.done $0x0  }
0x42: {  	[sflag:s17] =	ssyncadd.s32 $0xFFFFC000  }
0x43: {  	[spmem:s2] =	stream.indirect.scatter.add.f32 [tilespmem:s16], [sflag:$0x2], $0x80, s14, s15, $0xb8;
	[tilespmem:$0x18100] =	vst v63  }
0x44: {  	_ =	swait.ge [sflag:s12], $0x4000  }
0x45: {  	s18 =	sadd.s32 $0x1, s18;
	[sflag:s12] =	ssyncset.done $0x0  }
0x46: {  	p0 =	sne.s32 s18, s8;
	[sflag:s12] =	ssyncadd.s32 $0xFFFFC000  }
.Ltmp1:
0x47: {  	[bflag:$0x0] =	sbarrier.arrive $0xFFFF;
	(pc) =	sbr.rel @p0 .LBB2_1-.Ltmp1, $4  }
0x48: {  	[hbm:s7], [sflag:s6] =	dma.local [spmem:s11], $0x2800  }
0x49: {  	_ =	swait.ge [sflag:s12], $0x2800  }
0x4a: {  	[sflag:s12] =	ssyncset.done $0x0  }
0x4b: {  	[sflag:s12] =	ssyncadd.s32 $0xFFFFD800  }
0x4c: {  	_ =	sfence.sel $0x180000  }
0x4d: {  	[bflag:$0x0] =	sbarrier.arrive $0xFFFF  }
0x4e: {  	p0 =	sne.s32 s1, $0x0;
	_ =	strace $0x9000004A  }
0x4f: {  	s0 =	sadd.s32 @!p0 $0x100000, s0;
	[bflag:$0x2] =	sbarrier.arrive $0xFFFF  }
0x50: {  	[sflag:s0] =	ssyncadd.tile.s32 @!p0 $0x1;
	_ =	shalt  }
.Lfunc_end2:
_tile_overlayer_lowered:
.L_overlay_start_2:
0x51: {  	(tag) =	ssettag $0x2  }
0x52: {  	s0 =	rddreg [dreg:$0x0];
	s2 =	stileid.u32  }
0x53: {  	s1 =	rddreg [dreg:$0x1];
	p0 =	sne.s32 s2, $0x0  }
0x54: {  	s3 =	rddreg [dreg:$0x2];
	[bflag:$0x3] =	sbarrier.arrive $0xFFFF;
	s2 =	simm.s32 @!p0 $0x1C02  }
0x55: {  	[timem:s3], [sflag:s2] =	dma.local @!p0 [hbm:s0], s1  }
0x56: {  	s0 =	simm.s32 @!p0 $0x2  }
0x57: {  	_ =	swait.ge @!p0 [sflag:s0], s1  }
0x58: {  	s1 =	ssub.s32 @!p0 $0x0, s1;
	[sflag:s0] =	ssyncset.done @!p0 $0x0  }
0x59: {  	[sflag:s0] =	ssyncadd.s32 @!p0 s1  }
0x5a: {  	[bflag:$0x3] =	sbarrier.arrive $0xFFFF  }
0x5b: {  	_ =	shalt  }

// kernel: kernel.14.cloned.1.call-start
scs
__scs_entry_jumppad:
0x0: {  	(pc) =	sbr.rel $0x88, $3  }
0x1: {  	(tag) =	ssettag $0x0;
	lr =	simm.s32 $0x1  }
0x2: {  	[smem:$0x3F9B] =	sst lr;
	_ =	strace $0xD0000000  }
0x3: {  	_ = 	snop  }
0x4: {  	_ = 	snop  }
0x5: {  	_ = 	snop  }
0x6: {  	_ = 	snop  }
0x7: {  	_ = 	snop  }
__scs_overlays_trampoline_lowered:
0x8: {  	[smem:$0x3FAA] =	sst s0  }
0x9: {  	[smem:$0x3FAB] =	sst s1  }
0xa: {  	[smem:$0x3FAC] =	sst s2  }
0xb: {  	[smem:$0x3FAD] =	sst s3  }
0xc: {  	[smem:$0x3FAE] =	sst s4  }
0xd: {  	[smem:$0x3FAF] =	sst s5  }
0xe: {  	[smem:$0x3FB0] =	sst s6  }
0xf: {  	[smem:$0x3FB1] =	sst s7  }
0x10: {  	[smem:$0x3FB2] =	sst s8  }
0x11: {  	[smem:$0x3FB3] =	sst s9;
	s0 =	simm.s32 @!p0 $0x0  }
0x12: {  	s1 =	sld [smem:$0x3F99];
	s0 =	simm.s32 @p0 $0x1  }
0x13: {  	[smem:$0x3FB4] =	sst s0;
	s0 =	simm.s32 @!p1 $0x0  }
0x14: {  	s2 =	sld [smem:$0x3F98];
	s0 =	simm.s32 @p1 $0x1  }
0x15: {  	[smem:$0x3FB5] =	sst s0;
	s0 =	simm.s32 @!p2 $0x0  }
0x16: {  	s3 =	sld [smem:$0x3FDB];
	s0 =	simm.s32 @p2 $0x1  }
0x17: {  	s4 =	simm.s32 $0x1BF5;
	[smem:$0x3FB7] =	sst s0  }
0x18: {  	s0 =	sld [smem:$0x3F9A];
	_ =	swait.ge [sflag:s4], $0x0  }
0x19: {  	s7 =	sld [smem:$0x3F9B]  }
0x1a: {  	s8 =	sadd.s32 $0xFFFFE003, lr  }
0x1b: {  	s9 =	sadd.s32 $0xFFFFFEF7, lr;
	s5 =	simm.s32 $0xFFFFFFFF;
	p2 =	slt.u32 s8, $0xFFFFF086  }
0x1c: {  	p1 =	slt.u32 s9, $0xF7A;
	s5 =	simm.s32 @!p2 $0x0  }
0x1d: {  	s5 =	simm.s32 @p1 $0x1;
	p0 =	seq.s32 s7, s2  }
0x1e: {  	s7 =	smul.u32 @!p0 $0xF7A, s2;
	p2 =	seq.s32 @!p0 s5, $0x0  }
0x1f: {  	s9 =	smul.u32 $0xF7A, s1;
	s8 =	simm.s32 @!p0 $0x1BF5;
	p2 =	por !p2, p0  }
0x20: {  	[sflag:s8] =	ssyncset.s32 @!p0 $0xFFFFF086;
	s6 =	sadd.s32 @!p0 s3, s7;
	s7 =	simm.s32 @!p0 $0x108  }
0x21: {  	s3 =	sadd.s32 s3, s9;
	s6 =	sadd.s32 @!p0 $0x88, s6;
	s7 =	simm.s32 @p2 $0x1082  }
0x22: {  	[simem:s7], [sflag:s8] =	dma.local @!p0 [hbm:s6], $0xF7A  }
0x23: {  	s9 =	sor.u32 $0xD0000000, s2;
	s6 =	simm.s32 $0x108;
	_ =	swait.ge @!p0 [sflag:s8], $0x0  }
0x24: {  	s3 =	sadd.s32 $0x88, s3;
	s6 =	simm.s32 @!p1 $0x1082;
	[sflag:s4] =	ssyncset.s32 $0xFFFFF086  }
0x25: {  	[simem:s6], [sflag:s4] =	dma.local [hbm:s3], $0xF7A  }
0x26: {  	[smem:$0x3F9B] =	sst s1;
	(tag) =	ssettag s2;
	_ =	strace s9  }
0x27: {  	s1 =	sld [smem:$0x3FAB]  }
0x28: {  	s2 =	sld [smem:$0x3FAC]  }
0x29: {  	s4 =	sld [smem:$0x3FAE]  }
0x2a: {  	p0 =	seq.s32 s5, $0x0;
	s5 =	sld [smem:$0x3FAF]  }
0x2b: {  	s6 =	sld [smem:$0x3FB0]  }
0x2c: {  	s7 =	sld [smem:$0x3FB1]  }
0x2d: {  	s3 =	simm.s32 $0x108;
	s8 =	sld [smem:$0x3FB2]  }
0x2e: {  	s3 =	simm.s32 @!p0 $0x1082;
	s9 =	sld [smem:$0x3FB3]  }
0x2f: {  	lr =	sadd.s32 s0, s3;
	s0 =	sld [smem:$0x3FAA]  }
0x30: {  	s3 =	sld [smem:$0x3FAD]  }
0x31: {  	[smem:$0x3FB6] =	sst s10  }
0x32: {  	s10 =	sld [smem:$0x3FB4];
	_ =	sdelay $0x3  }
0x33: {  	p0 =	seq.s32 s10, $0x1;
	s10 =	sld [smem:$0x3FB6];
	_ =	sdelay $0x3  }
0x34: {  	[smem:$0x3FB6] =	sst s10  }
0x35: {  	s10 =	sld [smem:$0x3FB5];
	_ =	sdelay $0x3  }
0x36: {  	p1 =	seq.s32 s10, $0x1;
	s10 =	sld [smem:$0x3FB6];
	_ =	sdelay $0x3  }
0x37: {  	[smem:$0x3FB6] =	sst s10  }
0x38: {  	s10 =	sld [smem:$0x3FB7]  }
0x39: {  	_ = 	snop;
	(pc) =	sbr.ind lr, $3  }
0x3a: {  	_ = 	snop  }
0x3b: {  	_ = 	snop  }
0x3c: {  	p2 =	seq.s32 s10, $0x1;
	s10 =	sld [smem:$0x3FB6]  }
0x3d: {  	_ =	shalt  }
0x3e: {  	_ =	shalt  }
0x3f: {  	_ =	shalt  }
0x40: {  	_ =	shalt  }
0x41: {  	_ =	shalt  }
0x42: {  	_ =	shalt  }
0x43: {  	_ =	shalt  }
0x44: {  	_ =	shalt  }
0x45: {  	_ =	shalt  }
0x46: {  	_ =	shalt  }
0x47: {  	_ =	shalt  }
0x48: {  	_ =	shalt  }
0x49: {  	_ =	shalt  }
0x4a: {  	_ =	shalt  }
0x4b: {  	_ =	shalt  }
0x4c: {  	_ =	shalt  }
0x4d: {  	_ =	shalt  }
0x4e: {  	_ =	shalt  }
0x4f: {  	_ =	shalt  }
0x50: {  	_ =	shalt  }
0x51: {  	_ =	shalt  }
0x52: {  	_ =	shalt  }
0x53: {  	_ =	shalt  }
0x54: {  	_ =	shalt  }
0x55: {  	_ =	shalt  }
0x56: {  	_ =	shalt  }
0x57: {  	_ =	shalt  }
0x58: {  	_ =	shalt  }
0x59: {  	_ =	shalt  }
0x5a: {  	_ =	shalt  }
0x5b: {  	_ =	shalt  }
0x5c: {  	_ =	shalt  }
0x5d: {  	_ =	shalt  }
0x5e: {  	_ =	shalt  }
0x5f: {  	_ =	shalt  }
0x60: {  	_ =	shalt  }
0x61: {  	_ =	shalt  }
0x62: {  	_ =	shalt  }
0x63: {  	_ =	shalt  }
0x64: {  	_ =	shalt  }
0x65: {  	_ =	shalt  }
0x66: {  	_ =	shalt  }
0x67: {  	_ =	shalt  }
0x68: {  	_ =	shalt  }
0x69: {  	_ =	shalt  }
0x6a: {  	_ =	shalt  }
0x6b: {  	_ =	shalt  }
0x6c: {  	_ =	shalt  }
0x6d: {  	_ =	shalt  }
0x6e: {  	_ =	shalt  }
0x6f: {  	_ =	shalt  }
0x70: {  	_ =	shalt  }
0x71: {  	_ =	shalt  }
0x72: {  	_ =	shalt  }
0x73: {  	_ =	shalt  }
0x74: {  	_ =	shalt  }
0x75: {  	_ =	shalt  }
0x76: {  	_ =	shalt  }
0x77: {  	_ =	shalt  }
0x78: {  	_ =	shalt  }
0x79: {  	_ =	shalt  }
0x7a: {  	_ =	shalt  }
0x7b: {  	_ =	shalt  }
0x7c: {  	_ =	shalt  }
0x7d: {  	_ =	shalt  }
0x7e: {  	_ =	shalt  }
0x7f: {  	_ =	shalt  }
0x80: {  	_ =	shalt  }
0x81: {  	_ =	shalt  }
0x82: {  	_ =	shalt  }
0x83: {  	_ =	shalt  }
0x84: {  	_ =	shalt  }
0x85: {  	_ =	shalt  }
0x86: {  	_ =	shalt  }
0x87: {  	_ =	shalt  }
.Lfunc_end0:
.L_simem_size_0:
called_computation.2_lowered:
.L_overlay_start_0:
0x88: {  	s2 =	sld [smem:$0x3FD9]  }
0x89: {  	s3 =	sld [smem:$0x3FFE];
	_ =	sdelay $0x1  }
0x8a: {  	s1 =	srdreg.scid  }
0x8b: {  	s0 =	sand.u32 $0x1, s1  }
0x8c: {  	s17 =	sshll.u32 s0, $0xA;
	s2 =	sadd.s32 s3, s2  }
0x8d: {  	s2 =	sadd.s32 s2, s17  }
0x8e: {  	[smem:$0x3FC2] =	sst s2  }
0x8f: {  	_ = 	snop  }
0x90: {  	s2 =	sld [smem:$0x3FD0];
	(tm) =	ssettm $0x1  }
0x91: {  	s18 =	sld [smem:$0x3FFB];
	_ =	sdelay $0x3  }
0x92: {  	_ =	strace s18  }
0x93: {  	s3 =	sld [smem:$0x3FFC];
	_ =	sdelay $0x3  }
0x94: {  	_ =	strace s3  }
0x95: {  	s3 =	sld [smem:$0x3FFD];
	_ =	sdelay $0x3  }
0x96: {  	_ =	strace s3  }
0x97: {  	_ =	strace $0x8FFFFFFF  }
0x98: {  	s19 =	sld [smem:$0x3FDB];
	_ =	sdelay $0x1  }
0x99: {  	s4 =	simm.s32 $_scs_section_size  }
0x9a: {  	s5 =	simm.s32 $_size__tile_overlayer_lowered;
	s6 =	simm.s32 $_tile_overlayer_lowered  }
0x9b: {  	s22 =	simm.s32 $0x1BFF;
	s21 =	sshll.u32 s6, $0x1;
	s3 =	sadd.s32 s4, s19  }
0x9c: {  	s7 =	simm.s32 $0x0;
	s20 =	sshll.u32 s5, $0x1;
	s5 =	sadd.s32 s21, s3  }
0x9d: {  	[timem:s7], [sflag:s22] =	dma.local [hbm:s5], s20  }
0x9e: {  	_ =	swait.ge [sflag:s22], s20  }
0x9f: {  	s4 =	ssub.s32 $0x0, s20;
	[sflag:s22] =	ssyncset.done $0x0  }
0xa0: {  	[sflag:s22] =	ssyncadd.s32 s4;
	_ =	sdelay $0x1  }
0xa1: {  	s23 =	simm.s32 $0x1B8B  }
0xa2: {  	_ =	swait.ge [sflag:s23], $0x1  }
0xa3: {  	[sflag:s23] =	ssyncset.done $0x0  }
0xa4: {  	s25 =	simm.s32 $0x1B8E;
	s24 =	sld [smem:$0x3FFE];
	[sflag:s23] =	ssyncadd.s32 $0xFFFFFFFF  }
0xa5: {  	s26 =	simm.s32 $execute0_lowered;
	[smem:$0x3FD2] =	sst s25  }
0xa6: {  	s5 =	sshll.u32 s26, $0x1;
	_ =	strace $0x8000004C;
	[dreg:$0x1] =	wrdreg $0xFFFFFFFF  }
0xa7: {  	s28 =	simm.s32 $_size_execute0_lowered;
	s3 =	sadd.s32 s3, s5;
	[dreg:$0x0] =	wrdreg $0x0  }
0xa8: {  	s5 =	sshll.u32 s28, $0x1;
	[dreg:$0x2] =	wrdreg s3  }
0xa9: {  	[dreg:$0x3] =	wrdreg s5  }
0xaa: {  	[dreg:$0x4] =	wrdreg $0xC0  }
0xab: {  	_ =	task [dreg:s7], $0x5FFFF  }
0xac: {  	[dreg:$0x1] =	wrdreg $0xFFFFFFFF  }
0xad: {  	[dreg:$0x0] =	wrdreg $0x60  }
0xae: {  	[dreg:$0x2] =	wrdreg s2  }
0xaf: {  	[dreg:$0x3] =	wrdreg s24  }
0xb0: {  	[dreg:$0x4] =	wrdreg $0x0  }
0xb1: {  	[dreg:$0x5] =	wrdreg $0x9  }
0xb2: {  	_ =	task.clear_ibuf [dreg:s7], $0x6FFFF;
	_ =	strace $0x9000004C  }
0xb3: {  	s29 =	simm.s32 $0x9;
	_ =	strace $0x8000004E  }
0xb4: {  	_ =	swait.ge [sflag:s29], $0x1  }
0xb5: {  	[sflag:s29] =	ssyncadd.s32 $0xFFFFFFFF  }
0xb6: {  	_ =	strace $0x9000004E  }
0xb7: {  	_ =	sfence  }
0xb8: {  	s30 =	sld [smem:$0x0];
	_ =	sdelay $0x2  }
0xb9: {  	s31 =	sshll.u32 s1, $0xD;
	s1 =	sshrl.u32 s1, $0x2  }
0xba: {  	s3 =	sand.u32 $0x4000, s31;
	s1 =	sadd.s32 s1, s30  }
0xbb: {  	s0 =	sor.u32 s3, s0;
	s1 =	sshll.u32 s1, $0x11  }
0xbc: {  	s0 =	sor.u32 s1, s0  }
0xbd: {  	s0 =	sadd.s32 $0x8F2B, s0  }
0xbe: {  	[sflag:s0] =	ssyncadd.remote.s32 $0x1  }
0xbf: {  	_ =	sfence.sel $0xFFFF  }
0xc0: {  	[dreg:$0x0] =	wrdreg $0xFFFFFFFF;
	(pc) =	sbr.abs _section_cstart, $3  }
0xc1: {  	[dreg:$0x1] =	wrdreg $0xFFFFFFFF  }
0xc2: {  	_ =	task.clear_ibuf [dreg:s7], $0x2FFFF;
	_ =	strace $0x9FFFFFFF  }
0xc3: {  	(tm) =	ssettm $0x7FFFFFFF  }
tec
execute0_lowered:
.L_overlay_start_1:
0x0: {  	(tag) =	ssettag $0x1  }
0x1: {  	s10 =	rddreg [dreg:$0x0]  }
0x2: {  	s5 =	rddreg [dreg:$0x1];
	s0 =	srdreg.scid  }
0x3: {  	s2 =	rddreg [dreg:$0x2];
	s1 =	stileid.u32  }
0x4: {  	s3 =	simm.s32 $0x0;
	s16 =	simm.s32 $0x14100;
	s7 =	smul.u32 $0x14000, s1  }
0x5: {  	s17 =	simm.s32 $0x1;
	s18 =	simm.s32 $0x0;
	s28 =	smul.u32 $0x50000, s1  }
0x6: {  	s6 =	sand.u32 $0x1, s0;
	s0 =	rddreg [dreg:$0x3];
	s14 =	smul.u32 $0x4F0, s1  }
0x7: {  	[smem:$0x7FF] =	sst s3;
	s4 =	sadd.s32 $0xC800, s5;
	s11 =	smul.u32 $0x4F00, s6  }
0x8: {  	s31 =	sshll.u32 s1, $0x6;
	s8 =	smul.u32 $0x140000, s6;
	s6 =	ssub.s32 $0x2, s6  }
0x9: {  	_ =	strace $0x8000004D;
	s12 =	sshrl.u32 s7, $0x3;
	s29 =	sshrl.u32 s6, $0x1  }
0xa: {  	s30 =	sshrl.u32 s28, $0x2;
	s9 =	sadd.s32 s11, s5;
	s7 =	sadd.s32 s7, s8  }
0xb: {  	s12 =	sadd.s32 s12, s5;
	s13 =	ssub.s32 s6, s29;
	s15 =	sadd.s32 s30, s2  }
0xc: {  	s6 =	sor.u32 $0x1C02, s31;
	s10 =	sadd.s32 s11, s10;
	s7 =	sshrl.u32 s7, $0x3  }
0xd: {  	s9 =	sadd.s32 s14, s9;
	s8 =	smax.u32 s13, $0x1;
	s10 =	sadd.s32 s14, s10  }
0xe: {  	s11 =	sshrl.u32 s15, $0x3;
	s13 =	simm.s32 $0x14000;
	s14 =	simm.s32 $0x14080  }
0xf: {  	s15 =	simm.s32 $0x80;
	s7 =	sadd.s32 s7, s5;
	s5 =	sadd.s32 $0x5C800, s12  }
0x10: {  	s9 =	sadd.s32 $0x2A00, s9;
	s12 =	simm.s32 $0x2;
	s7 =	sadd.s32 $0x84800, s7  }
.LBB2_1:
0x11: {  	[spmem:s11], [sflag:s6] =	dma.local [hbm:s5], $0x2800  }
0x12: {  	_ =	swait.ge [sflag:s12], $0x2800  }
0x13: {  	[sflag:s12] =	ssyncset.done $0x0  }
0x14: {  	[sflag:s12] =	ssyncadd.s32 $0xFFFFD800  }
0x15: {  	s19 =	sadd.s32 $0x0, s10;
	[bflag:$0x0] =	sbarrier.arrive $0xFFFF  }
0x16: {  	[tilespmem:s13], [sflag:$0x2] =	stream.linear.gather [hbm4b:s19+s3], $0x80, $0x38;
	[tilespmem:$0x18100] =	vst v63  }
0x17: {  	_ =	swait.ge [sflag:s12], $0x80  }
0x18: {  	[sflag:s12] =	ssyncset.done $0x0  }
0x19: {  	s31 =	sadd.s32 $0x0, s9;
	[sflag:s12] =	ssyncadd.s32 $0xFFFFFF80  }
0x1a: {  	[tilespmem:s14], [sflag:$0x2] =	stream.linear.gather [hbm4b:s31+s3], $0x80, $0x38;
	[tilespmem:$0x18100] =	vst v63  }
0x1b: {  	_ =	swait.ge [sflag:s12], $0x80  }
0x1c: {  	[sflag:s12] =	ssyncset.done $0x0  }
0x1d: {  	[sflag:s12] =	ssyncadd.s32 $0xFFFFFF80  }
0x1e: {  	[tilespmem:s16], [sflag:$0x1] =	stream.indirect.gather [hbm4b:s4+s15], $0x80, s13, s15, $0xb8;
	[tilespmem:$0x18100] =	vst v63  }
0x1f: {  	_ =	swait.ge [sflag:s17], $0x4000  }
0x20: {  	[sflag:s17] =	ssyncset.done $0x0  }
0x21: {  	[sflag:s17] =	ssyncadd.s32 $0xFFFFC000  }
0x22: {  	[spmem:s2] =	stream.indirect.scatter.add.f32 [tilespmem:s16], [sflag:$0x2], $0x80, s14, s15, $0xb8;
	[tilespmem:$0x18100] =	vst v63  }
0x23: {  	_ =	swait.ge [sflag:s12], $0x4000  }
0x24: {  	s20 =	simm.s32 $0x20;
	s19 =	simm.s32 $0x10;
	[sflag:s12] =	ssyncset.done $0x0  }
.LBB2_2:
0x25: {  	s21 =	sadd.s32 s19, s10  }
0x26: {  	[sflag:s12] =	ssyncadd.s32 $0xFFFFC000;
	s22 =	smov.u32 s20;
	s23 =	sadd.s32 $0x10, s20  }
0x27: {  	[tilespmem:s13], [sflag:$0x2] =	stream.linear.gather [hbm4b:s21+s3], $0x80, $0x38;
	[tilespmem:$0x18100] =	vst v63  }
0x28: {  	p0 =	sne.s32 s20, $0x4E0;
	_ =	swait.ge [sflag:s12], $0x80  }
0x29: {  	[sflag:s12] =	ssyncset.done $0x0  }
0x2a: {  	s20 =	sadd.s32 s19, s9;
	s19 =	smov.u32 s22;
	[sflag:s12] =	ssyncadd.s32 $0xFFFFFF80  }
0x2b: {  	[tilespmem:s14], [sflag:$0x2] =	stream.linear.gather [hbm4b:s20+s3], $0x80, $0x38;
	[tilespmem:$0x18100] =	vst v63  }
0x2c: {  	_ =	swait.ge [sflag:s12], $0x80  }
0x2d: {  	[sflag:s12] =	ssyncset.done $0x0  }
0x2e: {  	[sflag:s12] =	ssyncadd.s32 $0xFFFFFF80  }
0x2f: {  	[tilespmem:s16], [sflag:$0x1] =	stream.indirect.gather [hbm4b:s4+s15], $0x80, s13, s15, $0xb8;
	[tilespmem:$0x18100] =	vst v63  }
0x30: {  	_ =	swait.ge [sflag:s17], $0x4000  }
.Ltmp0:
0x31: {  	[sflag:s17] =	ssyncset.done $0x0;
	(pc) =	sbr.rel @p0 .LBB2_2-.Ltmp0, $4  }
0x32: {  	[sflag:s17] =	ssyncadd.s32 $0xFFFFC000  }
0x33: {  	[spmem:s2] =	stream.indirect.scatter.add.f32 [tilespmem:s16], [sflag:$0x2], $0x80, s14, s15, $0xb8;
	[tilespmem:$0x18100] =	vst v63  }
0x34: {  	_ =	swait.ge [sflag:s12], $0x4000  }
0x35: {  	s20 =	smov.u32 s23;
	[sflag:s12] =	ssyncset.done $0x0  }
0x36: {  	s20 =	sadd.s32 s19, s10;
	[sflag:s12] =	ssyncadd.s32 $0xFFFFC000  }
0x37: {  	[tilespmem:s13], [sflag:$0x2] =	stream.linear.gather [hbm4b:s20+s3], $0x80, $0x38;
	[tilespmem:$0x18100] =	vst v63  }
0x38: {  	_ =	swait.ge [sflag:s12], $0x80  }
0x39: {  	[sflag:s12] =	ssyncset.done $0x0  }
0x3a: {  	s31 =	sadd.s32 s19, s9;
	[sflag:s12] =	ssyncadd.s32 $0xFFFFFF80  }
0x3b: {  	[tilespmem:s14], [sflag:$0x2] =	stream.linear.gather [hbm4b:s31+s3], $0x80, $0x38;
	[tilespmem:$0x18100] =	vst v63  }
0x3c: {  	_ =	swait.ge [sflag:s12], $0x80  }
0x3d: {  	[sflag:s12] =	ssyncset.done $0x0  }
0x3e: {  	[sflag:s12] =	ssyncadd.s32 $0xFFFFFF80  }
0x3f: {  	[tilespmem:s16], [sflag:$0x1] =	stream.indirect.gather [hbm4b:s4+s15], $0x80, s13, s15, $0xb8;
	[tilespmem:$0x18100] =	vst v63  }
0x40: {  	_ =	swait.ge [sflag:s17], $0x4000  }
0x41: {  	[sflag:s17] =	ssyncset.done $0x0  }
0x42: {  	[sflag:s17] =	ssyncadd.s32 $0xFFFFC000  }
0x43: {  	[spmem:s2] =	stream.indirect.scatter.add.f32 [tilespmem:s16], [sflag:$0x2], $0x80, s14, s15, $0xb8;
	[tilespmem:$0x18100] =	vst v63  }
0x44: {  	_ =	swait.ge [sflag:s12], $0x4000  }
0x45: {  	s18 =	sadd.s32 $0x1, s18;
	[sflag:s12] =	ssyncset.done $0x0  }
0x46: {  	p0 =	sne.s32 s18, s8;
	[sflag:s12] =	ssyncadd.s32 $0xFFFFC000  }
.Ltmp1:
0x47: {  	[bflag:$0x0] =	sbarrier.arrive $0xFFFF;
	(pc) =	sbr.rel @p0 .LBB2_1-.Ltmp1, $4  }
0x48: {  	[hbm:s7], [sflag:s6] =	dma.local [spmem:s11], $0x2800  }
0x49: {  	_ =	swait.ge [sflag:s12], $0x2800  }
0x4a: {  	[sflag:s12] =	ssyncset.done $0x0  }
0x4b: {  	[sflag:s12] =	ssyncadd.s32 $0xFFFFD800  }
0x4c: {  	_ =	sfence.sel $0x180000  }
0x4d: {  	[bflag:$0x0] =	sbarrier.arrive $0xFFFF  }
0x4e: {  	p0 =	sne.s32 s1, $0x0;
	_ =	strace $0x9000004D  }
0x4f: {  	s0 =	sadd.s32 @!p0 $0x100000, s0;
	[bflag:$0x2] =	sbarrier.arrive $0xFFFF  }
0x50: {  	[sflag:s0] =	ssyncadd.tile.s32 @!p0 $0x1;
	_ =	shalt  }
.Lfunc_end2:
_tile_overlayer_lowered:
.L_overlay_start_2:
0x51: {  	(tag) =	ssettag $0x2  }
0x52: {  	s0 =	rddreg [dreg:$0x0];
	s2 =	stileid.u32  }
0x53: {  	s1 =	rddreg [dreg:$0x1];
	p0 =	sne.s32 s2, $0x0  }
0x54: {  	s3 =	rddreg [dreg:$0x2];
	[bflag:$0x3] =	sbarrier.arrive $0xFFFF;
	s2 =	simm.s32 @!p0 $0x1C02  }
0x55: {  	[timem:s3], [sflag:s2] =	dma.local @!p0 [hbm:s0], s1  }
0x56: {  	s0 =	simm.s32 @!p0 $0x2  }
0x57: {  	_ =	swait.ge @!p0 [sflag:s0], s1  }
0x58: {  	s1 =	ssub.s32 @!p0 $0x0, s1;
	[sflag:s0] =	ssyncset.done @!p0 $0x0  }
0x59: {  	[sflag:s0] =	ssyncadd.s32 @!p0 s1  }
0x5a: {  	[bflag:$0x3] =	sbarrier.arrive $0xFFFF  }
0x5b: {  	_ =	shalt  }

// kernel: kernel.8.cloned.1.call-start
scs
__scs_entry_jumppad:
0x0: {  	(pc) =	sbr.rel $0x88, $3  }
0x1: {  	(tag) =	ssettag $0x0;
	lr =	simm.s32 $0x1  }
0x2: {  	[smem:$0x3F9B] =	sst lr;
	_ =	strace $0xD0000000  }
0x3: {  	_ = 	snop  }
0x4: {  	_ = 	snop  }
0x5: {  	_ = 	snop  }
0x6: {  	_ = 	snop  }
0x7: {  	_ = 	snop  }
__scs_overlays_trampoline_lowered:
0x8: {  	[smem:$0x3FAA] =	sst s0  }
0x9: {  	[smem:$0x3FAB] =	sst s1  }
0xa: {  	[smem:$0x3FAC] =	sst s2  }
0xb: {  	[smem:$0x3FAD] =	sst s3  }
0xc: {  	[smem:$0x3FAE] =	sst s4  }
0xd: {  	[smem:$0x3FAF] =	sst s5  }
0xe: {  	[smem:$0x3FB0] =	sst s6  }
0xf: {  	[smem:$0x3FB1] =	sst s7  }
0x10: {  	[smem:$0x3FB2] =	sst s8  }
0x11: {  	[smem:$0x3FB3] =	sst s9;
	s0 =	simm.s32 @!p0 $0x0  }
0x12: {  	s1 =	sld [smem:$0x3F99];
	s0 =	simm.s32 @p0 $0x1  }
0x13: {  	[smem:$0x3FB4] =	sst s0;
	s0 =	simm.s32 @!p1 $0x0  }
0x14: {  	s2 =	sld [smem:$0x3F98];
	s0 =	simm.s32 @p1 $0x1  }
0x15: {  	[smem:$0x3FB5] =	sst s0;
	s0 =	simm.s32 @!p2 $0x0  }
0x16: {  	s3 =	sld [smem:$0x3FDB];
	s0 =	simm.s32 @p2 $0x1  }
0x17: {  	s4 =	simm.s32 $0x1BF5;
	[smem:$0x3FB7] =	sst s0  }
0x18: {  	s0 =	sld [smem:$0x3F9A];
	_ =	swait.ge [sflag:s4], $0x0  }
0x19: {  	s7 =	sld [smem:$0x3F9B]  }
0x1a: {  	s8 =	sadd.s32 $0xFFFFE003, lr  }
0x1b: {  	s9 =	sadd.s32 $0xFFFFFEF7, lr;
	s5 =	simm.s32 $0xFFFFFFFF;
	p2 =	slt.u32 s8, $0xFFFFF086  }
0x1c: {  	p1 =	slt.u32 s9, $0xF7A;
	s5 =	simm.s32 @!p2 $0x0  }
0x1d: {  	s5 =	simm.s32 @p1 $0x1;
	p0 =	seq.s32 s7, s2  }
0x1e: {  	s7 =	smul.u32 @!p0 $0xF7A, s2;
	p2 =	seq.s32 @!p0 s5, $0x0  }
0x1f: {  	s9 =	smul.u32 $0xF7A, s1;
	s8 =	simm.s32 @!p0 $0x1BF5;
	p2 =	por !p2, p0  }
0x20: {  	[sflag:s8] =	ssyncset.s32 @!p0 $0xFFFFF086;
	s6 =	sadd.s32 @!p0 s3, s7;
	s7 =	simm.s32 @!p0 $0x108  }
0x21: {  	s3 =	sadd.s32 s3, s9;
	s6 =	sadd.s32 @!p0 $0x88, s6;
	s7 =	simm.s32 @p2 $0x1082  }
0x22: {  	[simem:s7], [sflag:s8] =	dma.local @!p0 [hbm:s6], $0xF7A  }
0x23: {  	s9 =	sor.u32 $0xD0000000, s2;
	s6 =	simm.s32 $0x108;
	_ =	swait.ge @!p0 [sflag:s8], $0x0  }
0x24: {  	s3 =	sadd.s32 $0x88, s3;
	s6 =	simm.s32 @!p1 $0x1082;
	[sflag:s4] =	ssyncset.s32 $0xFFFFF086  }
0x25: {  	[simem:s6], [sflag:s4] =	dma.local [hbm:s3], $0xF7A  }
0x26: {  	[smem:$0x3F9B] =	sst s1;
	(tag) =	ssettag s2;
	_ =	strace s9  }
0x27: {  	s1 =	sld [smem:$0x3FAB]  }
0x28: {  	s2 =	sld [smem:$0x3FAC]  }
0x29: {  	s4 =	sld [smem:$0x3FAE]  }
0x2a: {  	p0 =	seq.s32 s5, $0x0;
	s5 =	sld [smem:$0x3FAF]  }
0x2b: {  	s6 =	sld [smem:$0x3FB0]  }
0x2c: {  	s7 =	sld [smem:$0x3FB1]  }
0x2d: {  	s3 =	simm.s32 $0x108;
	s8 =	sld [smem:$0x3FB2]  }
0x2e: {  	s3 =	simm.s32 @!p0 $0x1082;
	s9 =	sld [smem:$0x3FB3]  }
0x2f: {  	lr =	sadd.s32 s0, s3;
	s0 =	sld [smem:$0x3FAA]  }
0x30: {  	s3 =	sld [smem:$0x3FAD]  }
0x31: {  	[smem:$0x3FB6] =	sst s10  }
0x32: {  	s10 =	sld [smem:$0x3FB4];
	_ =	sdelay $0x3  }
0x33: {  	p0 =	seq.s32 s10, $0x1;
	s10 =	sld [smem:$0x3FB6];
	_ =	sdelay $0x3  }
0x34: {  	[smem:$0x3FB6] =	sst s10  }
0x35: {  	s10 =	sld [smem:$0x3FB5];
	_ =	sdelay $0x3  }
0x36: {  	p1 =	seq.s32 s10, $0x1;
	s10 =	sld [smem:$0x3FB6];
	_ =	sdelay $0x3  }
0x37: {  	[smem:$0x3FB6] =	sst s10  }
0x38: {  	s10 =	sld [smem:$0x3FB7]  }
0x39: {  	_ = 	snop;
	(pc) =	sbr.ind lr, $3  }
0x3a: {  	_ = 	snop  }
0x3b: {  	_ = 	snop  }
0x3c: {  	p2 =	seq.s32 s10, $0x1;
	s10 =	sld [smem:$0x3FB6]  }
0x3d: {  	_ =	shalt  }
0x3e: {  	_ =	shalt  }
0x3f: {  	_ =	shalt  }
0x40: {  	_ =	shalt  }
0x41: {  	_ =	shalt  }
0x42: {  	_ =	shalt  }
0x43: {  	_ =	shalt  }
0x44: {  	_ =	shalt  }
0x45: {  	_ =	shalt  }
0x46: {  	_ =	shalt  }
0x47: {  	_ =	shalt  }
0x48: {  	_ =	shalt  }
0x49: {  	_ =	shalt  }
0x4a: {  	_ =	shalt  }
0x4b: {  	_ =	shalt  }
0x4c: {  	_ =	shalt  }
0x4d: {  	_ =	shalt  }
0x4e: {  	_ =	shalt  }
0x4f: {  	_ =	shalt  }
0x50: {  	_ =	shalt  }
0x51: {  	_ =	shalt  }
0x52: {  	_ =	shalt  }
0x53: {  	_ =	shalt  }
0x54: {  	_ =	shalt  }
0x55: {  	_ =	shalt  }
0x56: {  	_ =	shalt  }
0x57: {  	_ =	shalt  }
0x58: {  	_ =	shalt  }
0x59: {  	_ =	shalt  }
0x5a: {  	_ =	shalt  }
0x5b: {  	_ =	shalt  }
0x5c: {  	_ =	shalt  }
0x5d: {  	_ =	shalt  }
0x5e: {  	_ =	shalt  }
0x5f: {  	_ =	shalt  }
0x60: {  	_ =	shalt  }
0x61: {  	_ =	shalt  }
0x62: {  	_ =	shalt  }
0x63: {  	_ =	shalt  }
0x64: {  	_ =	shalt  }
0x65: {  	_ =	shalt  }
0x66: {  	_ =	shalt  }
0x67: {  	_ =	shalt  }
0x68: {  	_ =	shalt  }
0x69: {  	_ =	shalt  }
0x6a: {  	_ =	shalt  }
0x6b: {  	_ =	shalt  }
0x6c: {  	_ =	shalt  }
0x6d: {  	_ =	shalt  }
0x6e: {  	_ =	shalt  }
0x6f: {  	_ =	shalt  }
0x70: {  	_ =	shalt  }
0x71: {  	_ =	shalt  }
0x72: {  	_ =	shalt  }
0x73: {  	_ =	shalt  }
0x74: {  	_ =	shalt  }
0x75: {  	_ =	shalt  }
0x76: {  	_ =	shalt  }
0x77: {  	_ =	shalt  }
0x78: {  	_ =	shalt  }
0x79: {  	_ =	shalt  }
0x7a: {  	_ =	shalt  }
0x7b: {  	_ =	shalt  }
0x7c: {  	_ =	shalt  }
0x7d: {  	_ =	shalt  }
0x7e: {  	_ =	shalt  }
0x7f: {  	_ =	shalt  }
0x80: {  	_ =	shalt  }
0x81: {  	_ =	shalt  }
0x82: {  	_ =	shalt  }
0x83: {  	_ =	shalt  }
0x84: {  	_ =	shalt  }
0x85: {  	_ =	shalt  }
0x86: {  	_ =	shalt  }
0x87: {  	_ =	shalt  }
.Lfunc_end0:
.L_simem_size_0:
called_computation_lowered:
.L_overlay_start_0:
0x88: {  	s2 =	sld [smem:$0x3FD9]  }
0x89: {  	s3 =	sld [smem:$0x3FFE];
	_ =	sdelay $0x1  }
0x8a: {  	s1 =	srdreg.scid  }
0x8b: {  	s0 =	sand.u32 $0x1, s1  }
0x8c: {  	s16 =	sshll.u32 s0, $0xA;
	s2 =	sadd.s32 s3, s2  }
0x8d: {  	s2 =	sadd.s32 s2, s16  }
0x8e: {  	[smem:$0x3FC2] =	sst s2  }
0x8f: {  	_ = 	snop  }
0x90: {  	(tm) =	ssettm $0x1  }
0x91: {  	s17 =	sld [smem:$0x3FFB];
	_ =	sdelay $0x3  }
0x92: {  	_ =	strace s17  }
0x93: {  	s2 =	sld [smem:$0x3FFC];
	_ =	sdelay $0x3  }
0x94: {  	_ =	strace s2  }
0x95: {  	s2 =	sld [smem:$0x3FFD];
	_ =	sdelay $0x3  }
0x96: {  	_ =	strace s2  }
0x97: {  	_ =	strace $0x8FFFFFFF  }
0x98: {  	s18 =	sld [smem:$0x3FDB];
	_ =	sdelay $0x1  }
0x99: {  	s19 =	simm.s32 $_scs_section_size  }
0x9a: {  	s4 =	simm.s32 $_size__tile_overlayer_lowered;
	s5 =	simm.s32 $_tile_overlayer_lowered  }
0x9b: {  	s22 =	simm.s32 $0x1BFF;
	s21 =	sshll.u32 s5, $0x1;
	s2 =	sadd.s32 s19, s18  }
0x9c: {  	s6 =	simm.s32 $0x0;
	s20 =	sshll.u32 s4, $0x1;
	s4 =	sadd.s32 s21, s2  }
0x9d: {  	[timem:s6], [sflag:s22] =	dma.local [hbm:s4], s20  }
0x9e: {  	_ =	swait.ge [sflag:s22], s20  }
0x9f: {  	s3 =	ssub.s32 $0x0, s20;
	[sflag:s22] =	ssyncset.done $0x0  }
0xa0: {  	[sflag:s22] =	ssyncadd.s32 s3;
	_ =	sdelay $0x1  }
0xa1: {  	s23 =	simm.s32 $0x1B8B  }
0xa2: {  	_ =	swait.ge [sflag:s23], $0x1  }
0xa3: {  	[sflag:s23] =	ssyncset.done $0x0  }
0xa4: {  	s25 =	simm.s32 $0x1B8E;
	s24 =	sld [smem:$0x3FFE];
	[sflag:s23] =	ssyncadd.s32 $0xFFFFFFFF  }
0xa5: {  	s26 =	simm.s32 $execute0_lowered;
	[smem:$0x3FD2] =	sst s25  }
0xa6: {  	s4 =	sshll.u32 s26, $0x1;
	_ =	strace $0x80000046;
	[dreg:$0x1] =	wrdreg $0xFFFFFFFF  }
0xa7: {  	s28 =	simm.s32 $_size_execute0_lowered;
	s2 =	sadd.s32 s2, s4;
	[dreg:$0x0] =	wrdreg $0x0  }
0xa8: {  	s4 =	sshll.u32 s28, $0x1;
	[dreg:$0x2] =	wrdreg s2  }
0xa9: {  	[dreg:$0x3] =	wrdreg s4  }
0xaa: {  	[dreg:$0x4] =	wrdreg $0xC0  }
0xab: {  	_ =	task [dreg:s6], $0x5FFFF  }
0xac: {  	[dreg:$0x1] =	wrdreg $0xFFFFFFFF  }
0xad: {  	[dreg:$0x0] =	wrdreg $0x60  }
0xae: {  	[dreg:$0x2] =	wrdreg s24  }
0xaf: {  	[dreg:$0x3] =	wrdreg $0x53000  }
0xb0: {  	[dreg:$0x4] =	wrdreg $0x9  }
0xb1: {  	_ =	task.clear_ibuf [dreg:s6], $0x5FFFF;
	_ =	strace $0x90000046  }
0xb2: {  	s29 =	simm.s32 $0x9;
	_ =	strace $0x80000048  }
0xb3: {  	_ =	swait.ge [sflag:s29], $0x1  }
0xb4: {  	[sflag:s29] =	ssyncadd.s32 $0xFFFFFFFF  }
0xb5: {  	_ =	strace $0x90000048  }
0xb6: {  	_ =	sfence  }
0xb7: {  	s30 =	sld [smem:$0x0];
	_ =	sdelay $0x2  }
0xb8: {  	s31 =	sshll.u32 s1, $0xD;
	s1 =	sshrl.u32 s1, $0x2  }
0xb9: {  	s3 =	sand.u32 $0x4000, s31;
	s1 =	sadd.s32 s1, s30  }
0xba: {  	s0 =	sor.u32 s3, s0;
	s1 =	sshll.u32 s1, $0x11  }
0xbb: {  	s0 =	sor.u32 s1, s0  }
0xbc: {  	s0 =	sadd.s32 $0x8F2B, s0  }
0xbd: {  	[sflag:s0] =	ssyncadd.remote.s32 $0x1  }
0xbe: {  	_ =	sfence.sel $0xFFFF  }
0xbf: {  	[dreg:$0x0] =	wrdreg $0xFFFFFFFF;
	(pc) =	sbr.abs _section_cstart, $3  }
0xc0: {  	[dreg:$0x1] =	wrdreg $0xFFFFFFFF  }
0xc1: {  	_ =	task.clear_ibuf [dreg:s6], $0x2FFFF;
	_ =	strace $0x9FFFFFFF  }
0xc2: {  	(tm) =	ssettm $0x7FFFFFFF  }
0xc3: {  	_ =	shalt  }
tec
execute0_lowered:
.L_overlay_start_1:
0x0: {  	(tag) =	ssettag $0x1  }
0x1: {  	s4 =	rddreg [dreg:$0x0]  }
0x2: {  	s5 =	rddreg [dreg:$0x1];
	s1 =	srdreg.scid  }
0x3: {  	s0 =	rddreg [dreg:$0x2];
	s2 =	simm.s32 $0x0;
	s13 =	simm.s32 $0x1400  }
0x4: {  	s14 =	simm.s32 $0x14000;
	s15 =	simm.s32 $0x2880;
	s16 =	simm.s32 $0x100  }
0x5: {  	s17 =	simm.s32 $0x5080;
	s3 =	sand.u32 $0x1, s1;
	s1 =	stileid.u32  }
0x6: {  	s18 =	simm.s32 $0x0;
	[smem:$0x7FF] =	sst s2;
	s6 =	smul.u32 $0x4F00, s3  }
0x7: {  	s7 =	smul.u32 $0x500, s1;
	_ =	strace $0x80000047;
	s8 =	sshll.u32 s3, $0x7  }
0x8: {  	s28 =	sshrl.u32 s1, $0x3;
	s29 =	ssub.s32 $0x2, s3;
	s11 =	smul.u32 $0x5000, s1  }
0x9: {  	s3 =	sadd.s32 $0xC800, s4;
	s10 =	sshll.u32 s1, $0x7;
	s12 =	smul.u32 $0x4F0, s1  }
0xa: {  	s30 =	sshrl.u32 s29, $0x1;
	s10 =	sand.u32 $0x380, s10;
	s9 =	sadd.s32 s6, s4  }
0xb: {  	s26 =	sor.u32 s8, s7;
	s7 =	smul.u32 $0x50000, s28;
	s8 =	ssub.s32 s29, s30  }
0xc: {  	s31 =	sshrl.u32 s11, $0x2;
	s11 =	simm.s32 $0x80;
	s6 =	sshrl.u32 s26, $0x3  }
0xd: {  	s9 =	sadd.s32 s12, s9;
	s12 =	simm.s32 $0x400;
	s7 =	sshrl.u32 s7, $0x2  }
0xe: {  	s6 =	sadd.s32 s6, s4;
	s7 =	sadd.s32 s7, s5;
	s5 =	sadd.s32 s31, s5  }
0xf: {  	s6 =	sadd.s32 $0xCE00, s6;
	s4 =	sadd.s32 s10, s7;
	s7 =	smax.u32 s8, $0x1  }
0x10: {  	v0 =	vimm.f32 $1.000000000e+00;
	s8 =	sadd.s32 $0x2A00, s9;
	s9 =	simm.s32 $0x1;
	s10 =	simm.s32 $0x2800  }
.LBB2_1:
0x11: {  	[tilespmem:s2], [sflag:$0x1] =	stream.linear.gather [hbm4b:s3+s2], $0x2800, $0x38;
	[tilespmem:$0x7B00] =	vst v63  }
0x12: {  	_ =	swait.ge [sflag:s9], $0x2800  }
0x13: {  	[sflag:s9] =	ssyncset.done $0x0  }
0x14: {  	s19 =	simm.s32 $0x0;
	[sflag:s9] =	ssyncadd.s32 $0xFFFFD800  }
.LBB2_2:
0x15: {  	s20 =	sadd.s32 s19, s8  }
0x16: {  	[tilespmem:s10], [sflag:$0x1] =	stream.linear.gather [hbm4b:s20+s2], $0x80, $0x38;
	[tilespmem:$0x7B00] =	vst v63  }
0x17: {  	_ =	swait.ge [sflag:s9], $0x80  }
0x18: {  	[sflag:s9] =	ssyncset.done $0x0  }
0x19: {  	[sflag:s9] =	ssyncadd.s32 $0xFFFFFF80  }
0x1a: {  	v1 =	vld [tilespmem:$0x2800];
	_ =	sdelay $0x7  }
0x1b: {  	[tilespmem:v1+s2+$0x0] =	vst.idx.add.f32.msk $0xffff, v0  }
0x1c: {  	v1 =	vld [tilespmem:$0x2810];
	_ =	sdelay $0x7  }
0x1d: {  	[tilespmem:v1+s2+$0x0] =	vst.idx.add.f32.msk $0xffff, v0  }
0x1e: {  	v1 =	vld [tilespmem:$0x2820];
	_ =	sdelay $0x7  }
0x1f: {  	[tilespmem:v1+s2+$0x0] =	vst.idx.add.f32.msk $0xffff, v0  }
0x20: {  	v1 =	vld [tilespmem:$0x2830];
	_ =	sdelay $0x7  }
0x21: {  	[tilespmem:v1+s2+$0x0] =	vst.idx.add.f32.msk $0xffff, v0  }
0x22: {  	v1 =	vld [tilespmem:$0x2840];
	_ =	sdelay $0x7  }
0x23: {  	[tilespmem:v1+s2+$0x0] =	vst.idx.add.f32.msk $0xffff, v0  }
0x24: {  	v1 =	vld [tilespmem:$0x2850];
	_ =	sdelay $0x7  }
0x25: {  	[tilespmem:v1+s2+$0x0] =	vst.idx.add.f32.msk $0xffff, v0  }
0x26: {  	v1 =	vld [tilespmem:$0x2860];
	_ =	sdelay $0x7  }
0x27: {  	[tilespmem:v1+s2+$0x0] =	vst.idx.add.f32.msk $0xffff, v0  }
0x28: {  	v1 =	vld [tilespmem:$0x2870];
	_ =	sdelay $0x2  }
0x29: {  	p0 =	sne.s32 s19, $0x4E0  }
.Ltmp0:
0x2a: {  	_ = 	snop;
	(pc) =	sbr.rel @p0 .LBB2_2-.Ltmp0, $2  }
0x2b: {  	_ =	sdelay $0x2  }
0x2c: {  	s19 =	sadd.s32 $0x10, s19;
	[tilespmem:v1+s2+$0x0] =	vst.idx.add.f32.msk $0xffff, v0  }
0x2d: {  	s19 =	simm.s32 $0x0  }
0x2e: {  	[spmem:s4] =	stream.strided.scatter [tilespmem:s19], [sflag:$0x1], $0x2800, s12, s11, $0x38;
	[tilespmem:$0x7B00] =	vst v63  }
0x2f: {  	_ =	swait.ge [sflag:s9], $0x2800  }
0x30: {  	[sflag:s9] =	ssyncset.done $0x0  }
0x31: {  	[sflag:s9] =	ssyncadd.s32 $0xFFFFD800  }
0x32: {  	[bflag:$0x0] =	sbarrier.arrive $0xFFFF  }
0x33: {  	[tilespmem:s15], [sflag:$0x1] =	stream.strided.gather [spmem:s5], $0x2800, s14, s13, $0x38;
	[tilespmem:$0x7B00] =	vst v63  }
0x34: {  	_ =	swait.ge [sflag:s9], $0x2800  }
0x35: {  	s20 =	sand.u32 $0x70, s19;
	s19 =	sand.u32 $0x1C00, s19;
	[sflag:s9] =	ssyncset.done $0x0  }
0x36: {  	s19 =	sor.u32 s20, s19;
	[sflag:s9] =	ssyncadd.s32 $0xFFFFD800  }
0x37: {  	v1 =	vld [tilespmem:s19+$0x2900]  }
0x38: {  	v2 =	vld [tilespmem:s19+$0x2880];
	_ =	sdelay $0x1  }
0x39: {  	v3 =	vld [tilespmem:s19+$0x2980];
	_ =	sdelay $0x1  }
0x3a: {  	v4 =	vld [tilespmem:s19+$0x2A00]  }
0x3b: {  	v1 =	vadd.f32 v1, v2  }
0x3c: {  	v2 =	vld [tilespmem:s19+$0x2A80]  }
0x3d: {  	v1 =	vadd.f32 v3, v1  }
0x3e: {  	v3 =	vld [tilespmem:s19+$0x2B00]  }
0x3f: {  	v1 =	vadd.f32 v4, v1  }
0x40: {  	v60 =	vld [tilespmem:s19+$0x2B80]  }
0x41: {  	v1 =	vadd.f32 v2, v1  }
0x42: {  	v2 =	vld [tilespmem:s19+$0x2C00]  }
0x43: {  	v1 =	vadd.f32 v3, v1  }
0x44: {  	v3 =	vld [tilespmem:s19+$0x3C80]  }
0x45: {  	v1 =	vadd.f32 v60, v1  }
0x46: {  	v61 =	vld [tilespmem:s19+$0x3D00]  }
0x47: {  	v1 =	vadd.f32 v2, v1  }
0x48: {  	v2 =	vld [tilespmem:s19+$0x3D80]  }
0x49: {  	v1 =	vadd.f32 v3, v1  }
0x4a: {  	v3 =	vld [tilespmem:s19+$0x3E00]  }
0x4b: {  	v1 =	vadd.f32 v61, v1  }
0x4c: {  	v62 =	vld [tilespmem:s19+$0x3E80]  }
0x4d: {  	v1 =	vadd.f32 v2, v1  }
0x4e: {  	v2 =	vld [tilespmem:s19+$0x3F00]  }
0x4f: {  	v1 =	vadd.f32 v3, v1  }
0x50: {  	v3 =	vld [tilespmem:s19+$0x3F80]  }
0x51: {  	v1 =	vadd.f32 v62, v1  }
0x52: {  	v63 =	vld [tilespmem:s19+$0x4000]  }
0x53: {  	v1 =	vadd.f32 v2, v1;
	_ =	sdelay $0x1  }
0x54: {  	v1 =	vadd.f32 v3, v1;
	_ =	sdelay $0x1  }
0x55: {  	s31 =	simm.s32 $0x10;
	s21 =	simm.s32 $0x80;
	v1 =	vadd.f32 v63, v1  }
0x56: {  	s22 =	sand.u32 $0x1C00, s21;
	s20 =	sand.u32 $0x70, s31;
	s19 =	simm.s32 $0x5080  }
0x57: {  	s20 =	sor.u32 s20, s22;
	s22 =	simm.s32 $0x20;
	[tilespmem:s19+$0x0] =	vst v1  }
.LBB2_4:
0x58: {  	p0 =	sne.s32 s22, $0x270;
	v1 =	vld [tilespmem:s20+$0x2900]  }
0x59: {  	v2 =	vld [tilespmem:s20+$0x2880];
	_ =	sdelay $0x1  }
0x5a: {  	v3 =	vld [tilespmem:s20+$0x2980];
	_ =	sdelay $0x1  }
0x5b: {  	v4 =	vld [tilespmem:s20+$0x2A00]  }
0x5c: {  	v1 =	vadd.f32 v1, v2  }
0x5d: {  	v2 =	vld [tilespmem:s20+$0x2A80]  }
0x5e: {  	v1 =	vadd.f32 v3, v1  }
0x5f: {  	v3 =	vld [tilespmem:s20+$0x2B00]  }
0x60: {  	v1 =	vadd.f32 v4, v1  }
0x61: {  	v4 =	vld [tilespmem:s20+$0x2B80]  }
0x62: {  	v1 =	vadd.f32 v2, v1  }
0x63: {  	v2 =	vld [tilespmem:s20+$0x2C00]  }
0x64: {  	v1 =	vadd.f32 v3, v1  }
0x65: {  	v3 =	vld [tilespmem:s20+$0x3C80]  }
0x66: {  	v1 =	vadd.f32 v4, v1  }
0x67: {  	v4 =	vld [tilespmem:s20+$0x3D00]  }
0x68: {  	v1 =	vadd.f32 v2, v1  }
0x69: {  	v2 =	vld [tilespmem:s20+$0x3D80]  }
0x6a: {  	v1 =	vadd.f32 v3, v1  }
0x6b: {  	v3 =	vld [tilespmem:s20+$0x3E00]  }
0x6c: {  	v1 =	vadd.f32 v4, v1  }
0x6d: {  	v4 =	vld [tilespmem:s20+$0x3E80]  }
0x6e: {  	v1 =	vadd.f32 v2, v1  }
0x6f: {  	v2 =	vld [tilespmem:s20+$0x3F00]  }
0x70: {  	v1 =	vadd.f32 v3, v1  }
0x71: {  	v3 =	vld [tilespmem:s20+$0x3F80]  }
0x72: {  	v1 =	vadd.f32 v4, v1  }
0x73: {  	v4 =	vld [tilespmem:s20+$0x4000]  }
0x74: {  	v1 =	vadd.f32 v2, v1;
	_ =	sdelay $0x1  }
.Ltmp1:
0x75: {  	v1 =	vadd.f32 v3, v1;
	(pc) =	sbr.rel @p0 .LBB2_4-.Ltmp1, $4  }
0x76: {  	_ = 	snop  }
0x77: {  	s21 =	sadd.s32 $0x80, s21;
	v1 =	vadd.f32 v4, v1  }
0x78: {  	s19 =	sadd.s32 $0x10, s19;
	s23 =	sand.u32 $0x1C00, s21;
	s20 =	sand.u32 $0x70, s22  }
0x79: {  	s22 =	sadd.s32 $0x10, s22;
	s20 =	sor.u32 s20, s23;
	[tilespmem:s19+$0x0] =	vst v1  }
0x7a: {  	v1 =	vld [tilespmem:s20+$0x2900]  }
0x7b: {  	v2 =	vld [tilespmem:s20+$0x2880];
	_ =	sdelay $0x1  }
0x7c: {  	v3 =	vld [tilespmem:s20+$0x2980];
	_ =	sdelay $0x1  }
0x7d: {  	v4 =	vld [tilespmem:s20+$0x2A00]  }
0x7e: {  	v1 =	vadd.f32 v1, v2  }
0x7f: {  	v2 =	vld [tilespmem:s20+$0x2A80]  }
0x80: {  	v1 =	vadd.f32 v3, v1  }
0x81: {  	v3 =	vld [tilespmem:s20+$0x2B00]  }
0x82: {  	v1 =	vadd.f32 v4, v1  }
0x83: {  	v60 =	vld [tilespmem:s20+$0x2B80]  }
0x84: {  	v1 =	vadd.f32 v2, v1  }
0x85: {  	v2 =	vld [tilespmem:s20+$0x2C00]  }
0x86: {  	v1 =	vadd.f32 v3, v1  }
0x87: {  	v3 =	vld [tilespmem:s20+$0x3C80]  }
0x88: {  	v1 =	vadd.f32 v60, v1  }
0x89: {  	v61 =	vld [tilespmem:s20+$0x3D00]  }
0x8a: {  	v1 =	vadd.f32 v2, v1  }
0x8b: {  	v2 =	vld [tilespmem:s20+$0x3D80]  }
0x8c: {  	v1 =	vadd.f32 v3, v1  }
0x8d: {  	v3 =	vld [tilespmem:s20+$0x3E00]  }
0x8e: {  	v1 =	vadd.f32 v61, v1  }
0x8f: {  	v62 =	vld [tilespmem:s20+$0x3E80]  }
0x90: {  	v1 =	vadd.f32 v2, v1  }
0x91: {  	v2 =	vld [tilespmem:s20+$0x3F00]  }
0x92: {  	v1 =	vadd.f32 v3, v1  }
0x93: {  	v3 =	vld [tilespmem:s20+$0x3F80]  }
0x94: {  	v1 =	vadd.f32 v62, v1  }
0x95: {  	v63 =	vld [tilespmem:s20+$0x4000]  }
0x96: {  	v1 =	vadd.f32 v2, v1;
	_ =	sdelay $0x1  }
0x97: {  	v1 =	vadd.f32 v3, v1;
	_ =	sdelay $0x1  }
0x98: {  	s18 =	sadd.s32 $0x1, s18;
	v1 =	vadd.f32 v63, v1  }
0x99: {  	s19 =	sadd.s32 $0x10, s19;
	p0 =	sne.s32 s18, s7  }
.Ltmp2:
0x9a: {  	[tilespmem:s19+$0x0] =	vst v1;
	(pc) =	sbr.rel @p0 .LBB2_1-.Ltmp2, $4  }
0x9b: {  	[hbm4b:s6+s11] =	stream.strided.scatter [tilespmem:s17], [sflag:$0x1], $0x280, s16, s11, $0x38;
	[tilespmem:$0x7B00] =	vst v63  }
0x9c: {  	_ =	swait.ge [sflag:s9], $0x280  }
0x9d: {  	[sflag:s9] =	ssyncset.done $0x0  }
0x9e: {  	[sflag:s9] =	ssyncadd.s32 $0xFFFFFD80  }
0x9f: {  	_ =	sfence.sel $0x180000  }
0xa0: {  	[bflag:$0x0] =	sbarrier.arrive $0xFFFF  }
0xa1: {  	p0 =	sne.s32 s1, $0x0;
	_ =	strace $0x90000047  }
0xa2: {  	s0 =	sadd.s32 @!p0 $0x100000, s0;
	[bflag:$0x2] =	sbarrier.arrive $0xFFFF  }
0xa3: {  	[sflag:s0] =	ssyncadd.tile.s32 @!p0 $0x1;
	_ =	shalt  }
.Lfunc_end2:
_tile_overlayer_lowered:
.L_overlay_start_2:
0xa4: {  	(tag) =	ssettag $0x2  }
0xa5: {  	s0 =	rddreg [dreg:$0x0];
	s2 =	stileid.u32  }
0xa6: {  	s1 =	rddreg [dreg:$0x1];
	p0 =	sne.s32 s2, $0x0  }
0xa7: {  	s3 =	rddreg [dreg:$0x2];
	[bflag:$0x3] =	sbarrier.arrive $0xFFFF;
	s2 =	simm.s32 @!p0 $0x1C01  }
0xa8: {  	[timem:s3], [sflag:s2] =	dma.local @!p0 [hbm:s0], s1  }
0xa9: {  	s0 =	simm.s32 @!p0 $0x1  }
0xaa: {  	_ =	swait.ge @!p0 [sflag:s0], s1  }
0xab: {  	s1 =	ssub.s32 @!p0 $0x0, s1;
	[sflag:s0] =	ssyncset.done @!p0 $0x0  }
0xac: {  	[sflag:s0] =	ssyncadd.s32 @!p0 s1  }
0xad: {  	[bflag:$0x3] =	sbarrier.arrive $0xFFFF  }
0xae: {  	_ =	shalt  }

</sc_bundles>
